<compile_context>
chip_gen: v7x
topology: tpu7x:2x2x1
jax: 0.10.2.dev20260603
libtpu: 0.0.44.dev20260713+nightly
codegen_flags: <defaults>
</compile_context>

<pallas_src>
import functools

import jax
import jax.numpy as jnp
from jax import lax
from jax.experimental import pallas as pl
from jax.experimental.pallas import tpu as pltpu
from jax.experimental.pallas import tpu_sc as plsc

_D, _N, _K = 128, 10000, 32
_NC, _NS, _L = 2, 16, 16
_NW = _NC * _NS
_DPW = _D // _NW
_CHUNK = 400
_NCH = _N // _CHUNK
_G = _CHUNK // _L


def _body(f_hbm, nb_hbm, y_hbm, table_v, idx_v, out_v, sems):
    wid = lax.axis_index("s") * _NC + lax.axis_index("c")
    d0 = wid * _DPW

    def idx_copy(c, buf):
        return pltpu.make_async_copy(nb_hbm.at[c], idx_v.at[buf], sems.at[buf])

    idx_copy(0, 0).start()
    pltpu.sync_copy(f_hbm.at[pl.ds(d0 * _N, _DPW * _N)], table_v)

    def chunk_body(c, carry):
        buf = lax.rem(c, 2)

        @pl.when(c + 1 < _NCH)
        def _():
            idx_copy(c + 1, 1 - buf).start()

        idx_copy(c, buf).wait()
        c0 = c * _CHUNK

        @plsc.parallel_loop(0, _G, unroll=5)
        def group_body(g):
            base = g * _L

            def k_block(kb, accs):
                out = []
                for kk in range(8):
                    idx = idx_v[buf, kb * 8 + kk, pl.ds(base, _L)]
                    for dd in range(_DPW):
                        v = plsc.load_gather(table_v, [idx + (dd * _N)])
                        if kk == 0:
                            out.append(jnp.maximum(accs[dd], v))
                        else:
                            out[dd] = jnp.maximum(out[dd], v)
                return tuple(out)

            neg = jnp.full((_L,), -jnp.inf, jnp.float32)
            accs = lax.fori_loop(
                0, _K // 8, k_block, (neg, neg, neg, neg))
            for dd in range(_DPW):
                out_v[dd, pl.ds(c0 + base, _L)] = accs[dd]

        return carry

    lax.fori_loop(0, _NCH, chunk_body, 0)
    pltpu.sync_copy(out_v, y_hbm.at[pl.ds(d0, _DPW)])


_flexpool = functools.partial(
    pl.kernel,
    mesh=plsc.VectorSubcoreMesh(core_axis_name="c", subcore_axis_name="s"),
    out_type=jax.ShapeDtypeStruct((_D, _N), jnp.float32),
    compiler_params=pltpu.CompilerParams(
        needs_layout_passes=False, skip_device_barrier=True),
    scratch_types=[
        pltpu.VMEM((_DPW * _N,), jnp.float32),
        pltpu.VMEM((2, _K, _CHUNK), jnp.int32),
        pltpu.VMEM((_DPW, _N), jnp.float32),
        pltpu.SemaphoreType.DMA((2,)),
    ],
)(_body)


@jax.jit
def kernel(features, neighborhoods):
    f = features.reshape(_D * _N)
    nb = neighborhoods[0].reshape(_K, _NCH, _CHUNK).transpose(1, 0, 2)
    y = _flexpool(f, nb)
    return y[None]

# --- scband reference (transcript-rebuilt; emitter-appended) ---
"""Pipeline reference for scband-flex-pooling-23708219474789 (READ-ONLY COPY).

The authoritative reference and input builder live on the scoring server;
editing this copy changes nothing except your own understanding.
"""

import jax, jax.numpy as jnp
import numpy as np


def setup_inputs(seed: int = 0) -> dict:
    key = jax.random.key(seed)
    k1, k2 = jax.random.split(key)
    B, D, N, K = 1, 128, 10000, 32
    features = jax.random.normal(k1, (B, D, N), dtype=jnp.float32)
    neighborhoods = jax.random.randint(k2, (B, K, N), 0, N, dtype=jnp.int32)
    return {"features": features, "neighborhoods": neighborhoods}


def reference(features, neighborhoods):
    # FlexPooling (data_format='simple'):
    # features: [B, Din, N], neighborhoods: [B, K, N] (int32)
    # y[b, d, n] = max_k features[b, d, neighborhoods[b, k, n]]
    def per_batch(f, nb):
        # f: [D, N], nb: [K, N]
        gathered = jnp.take(f, nb, axis=1)  # [D, K, N]
        return jnp.max(gathered, axis=1)    # [D, N]
    y = jax.vmap(per_batch)(features, neighborhoods)  # [B, D, N]
    return y

if __name__ == "__main__":
    import jax
    _d = setup_inputs()
    print(jax.jit(kernel)(*tuple(_d.values())))

</pallas_src>

<mosaic_0001>
#map = affine_map<(d0, d1) -> (0)>
#map1 = affine_map<(d0, d1) -> (0, 0, 0)>
#map2 = affine_map<(d0, d1) -> (0, 0)>
module attributes {stable_mosaic.version = 14 : i64} {
  func.func @_body(%arg0: i32, %arg1: i32, %arg2: memref<1280000xf32, #tpu.memory_space<hbm>>, %arg3: memref<25x32x400xi32, #tpu.memory_space<hbm>>, %arg4: memref<128x10000xf32, #tpu.memory_space<hbm>>, %arg5: memref<40000xf32, #tpu.memory_space<vmem>>, %arg6: memref<2x32x400xi32, #tpu.memory_space<vmem>>, %arg7: memref<4x10000xf32, #tpu.memory_space<vmem>>, %arg8: memref<2x!tpu.dma_semaphore, #tpu.memory_space<semaphore_mem>>) attributes {dimension_semantics = [#tpu.dimension_semantics<core_parallel>, #tpu.dimension_semantics<subcore_parallel>], iteration_bounds = array<i64: 2, 16>, scalar_prefetch = 0 : i64, scratch_operands = 4 : i64, tpu.core_type = #tpu.core_type<sc_vector_subcore>, window_params = [{transform_indices = #map}, {transform_indices = #map1}, {transform_indices = #map2}]} {
    %mul3A = arith.constant 2 : i32
    %mul3A_0 = arith.muli %arg1, %mul3A : i32
    %add3A = arith.addi %mul3A_0, %arg0 : i32
    %mul3A_1 = arith.constant 4 : i32
    %mul3A_2 = arith.muli %add3A, %mul3A_1 : i32
    %dma_start3A = arith.constant 0 : i32
    %dma_start3A_3 = arith.constant 0 : i32
    %dma_start3A_4 = arith.constant 0 : i32
    %dma_start3A_5 = arith.constant 0 : i32
    %dma_start3A_6 = arith.constant 0 : i32
    %dma_start3A_7 = tpu.memref_slice %arg6[%dma_start3A_3, %dma_start3A_5, %dma_start3A_6] : memref<2x32x400xi32, #tpu.memory_space<vmem>> -> memref<1x32x400xi32, #tpu.memory_space<vmem>>
    %dma_start3A_8 = tpu.memref_squeeze %dma_start3A_7 : memref<1x32x400xi32, #tpu.memory_space<vmem>> -> memref<32x400xi32, #tpu.memory_space<vmem>>
    %dma_start3A_9 = arith.constant 0 : i32
    %dma_start3A_10 = arith.constant 0 : i32
    %dma_start3A_11 = tpu.memref_slice %arg3[%dma_start3A, %dma_start3A_9, %dma_start3A_10] : memref<25x32x400xi32, #tpu.memory_space<hbm>> -> memref<1x32x400xi32, #tpu.memory_space<hbm>>
    %dma_start3A_12 = tpu.memref_squeeze %dma_start3A_11 : memref<1x32x400xi32, #tpu.memory_space<hbm>> -> memref<32x400xi32, #tpu.memory_space<hbm>>
    %dma_start3A_13 = tpu.memref_slice %arg8[%dma_start3A_4] : memref<2x!tpu.dma_semaphore, #tpu.memory_space<semaphore_mem>> -> memref<1x!tpu.dma_semaphore, #tpu.memory_space<semaphore_mem>>
    %dma_start3A_14 = tpu.memref_squeeze %dma_start3A_13 : memref<1x!tpu.dma_semaphore, #tpu.memory_space<semaphore_mem>> -> memref<!tpu.dma_semaphore, #tpu.memory_space<semaphore_mem>>
    %dma_start3A_15 = arith.constant 0 : i32
    %dma_start3A_16 = arith.constant 0 : i32
    %dma_start3A_17 = tpu.memref_slice %arg6[%dma_start3A_3, %dma_start3A_15, %dma_start3A_16] : memref<2x32x400xi32, #tpu.memory_space<vmem>> -> memref<1x32x400xi32, #tpu.memory_space<vmem>>
    %dma_start3A_18 = tpu.memref_squeeze %dma_start3A_17 : memref<1x32x400xi32, #tpu.memory_space<vmem>> -> memref<32x400xi32, #tpu.memory_space<vmem>>
    %dma_start3A_19 = arith.constant 0 : i32
    %dma_start3A_20 = arith.constant 0 : i32
    %dma_start3A_21 = tpu.memref_slice %arg3[%dma_start3A, %dma_start3A_19, %dma_start3A_20] : memref<25x32x400xi32, #tpu.memory_space<hbm>> -> memref<1x32x400xi32, #tpu.memory_space<hbm>>
    %dma_start3A_22 = tpu.memref_squeeze %dma_start3A_21 : memref<1x32x400xi32, #tpu.memory_space<hbm>> -> memref<32x400xi32, #tpu.memory_space<hbm>>
    tpu.enqueue_dma source(%dma_start3A_22 : memref<32x400xi32, #tpu.memory_space<hbm>>) target(%dma_start3A_18 : memref<32x400xi32, #tpu.memory_space<vmem>>) target_semaphore(%dma_start3A_14 : memref<!tpu.dma_semaphore, #tpu.memory_space<semaphore_mem>>)
    %mul3A_23 = arith.constant 10000 : i32
    %mul3A_24 = arith.muli %mul3A_2, %mul3A_23 : i32
    "tpu.region"() ({
      %run_scoped3A = tpu.sem_alloc : memref<!tpu.dma_semaphore, #tpu.memory_space<semaphore_mem>>
      %dma_start3A_30 = tpu.memref_slice %arg2[%mul3A_24] : memref<1280000xf32, #tpu.memory_space<hbm>> -> memref<40000xf32, #tpu.memory_space<hbm>>
      %dma_start3A_31 = tpu.memref_slice %arg2[%mul3A_24] : memref<1280000xf32, #tpu.memory_space<hbm>> -> memref<40000xf32, #tpu.memory_space<hbm>>
      tpu.enqueue_dma source(%dma_start3A_31 : memref<40000xf32, #tpu.memory_space<hbm>>) target(%arg5 : memref<40000xf32, #tpu.memory_space<vmem>>) target_semaphore(%run_scoped3A : memref<!tpu.dma_semaphore, #tpu.memory_space<semaphore_mem>>)
      %dma_wait3A = tpu.memref_slice %arg2[%mul3A_24] : memref<1280000xf32, #tpu.memory_space<hbm>> -> memref<40000xf32, #tpu.memory_space<hbm>>
      %dma_wait3A_32 = tpu.memref_slice %arg2[%mul3A_24] : memref<1280000xf32, #tpu.memory_space<hbm>> -> memref<40000xf32, #tpu.memory_space<hbm>>
      tpu.wait_dma2 semaphore(%run_scoped3A : memref<!tpu.dma_semaphore, #tpu.memory_space<semaphore_mem>>) src(%dma_wait3A_32 : memref<40000xf32, #tpu.memory_space<hbm>>) dst(%arg5 : memref<40000xf32, #tpu.memory_space<vmem>>)
      tpu.yield
    }) : () -> ()
    %scan3A = arith.constant 0 : i32
    %scan3A_25 = arith.constant 0 : i32
    %scan3A_26 = arith.constant 25 : i32
    %scan3A_27 = arith.addi %scan3A_25, %scan3A_26 : i32
    %scan3A_28 = arith.constant 1 : i32
    scf.for %scan3A_30 = %scan3A_25 to %scan3A_27 step %scan3A_28  : i32 {
      %rem3A = arith.constant 2 : i32
      %rem3A_31 = arith.remsi %scan3A_30, %rem3A : i32
      %add3A_32 = arith.constant 1 : i32
      %add3A_33 = arith.addi %scan3A_30, %add3A_32 : i32
      %lt3A = arith.constant 25 : i32
      %lt3A_34 = arith.cmpi slt, %add3A_33, %lt3A : i32
      %convert_element_type3A = arith.extui %lt3A_34 : i1 to i32
      %cond3A = arith.constant 0 : i32
      %cond3A_35 = arith.cmpi ne, %convert_element_type3A, %cond3A : i32
      scf.if %cond3A_35 {
        %add3A_57 = arith.constant 1 : i32
        %add3A_58 = arith.addi %scan3A_30, %add3A_57 : i32
        %sub3A = arith.constant 1 : i32
        %sub3A_59 = arith.subi %sub3A, %rem3A_31 : i32
        %dma_start3A_60 = arith.constant 0 : i32
        %dma_start3A_61 = arith.constant 0 : i32
        %dma_start3A_62 = tpu.memref_slice %arg6[%sub3A_59, %dma_start3A_60, %dma_start3A_61] : memref<2x32x400xi32, #tpu.memory_space<vmem>> -> memref<1x32x400xi32, #tpu.memory_space<vmem>>
        %dma_start3A_63 = tpu.memref_squeeze %dma_start3A_62 : memref<1x32x400xi32, #tpu.memory_space<vmem>> -> memref<32x400xi32, #tpu.memory_space<vmem>>
        %dma_start3A_64 = arith.constant 0 : i32
        %dma_start3A_65 = arith.constant 0 : i32
        %dma_start3A_66 = tpu.memref_slice %arg3[%add3A_58, %dma_start3A_64, %dma_start3A_65] : memref<25x32x400xi32, #tpu.memory_space<hbm>> -> memref<1x32x400xi32, #tpu.memory_space<hbm>>
        %dma_start3A_67 = tpu.memref_squeeze %dma_start3A_66 : memref<1x32x400xi32, #tpu.memory_space<hbm>> -> memref<32x400xi32, #tpu.memory_space<hbm>>
        %dma_start3A_68 = tpu.memref_slice %arg8[%sub3A_59] : memref<2x!tpu.dma_semaphore, #tpu.memory_space<semaphore_mem>> -> memref<1x!tpu.dma_semaphore, #tpu.memory_space<semaphore_mem>>
        %dma_start3A_69 = tpu.memref_squeeze %dma_start3A_68 : memref<1x!tpu.dma_semaphore, #tpu.memory_space<semaphore_mem>> -> memref<!tpu.dma_semaphore, #tpu.memory_space<semaphore_mem>>
        %dma_start3A_70 = arith.constant 0 : i32
        %dma_start3A_71 = arith.constant 0 : i32
        %dma_start3A_72 = tpu.memref_slice %arg6[%sub3A_59, %dma_start3A_70, %dma_start3A_71] : memref<2x32x400xi32, #tpu.memory_space<vmem>> -> memref<1x32x400xi32, #tpu.memory_space<vmem>>
        %dma_start3A_73 = tpu.memref_squeeze %dma_start3A_72 : memref<1x32x400xi32, #tpu.memory_space<vmem>> -> memref<32x400xi32, #tpu.memory_space<vmem>>
        %dma_start3A_74 = arith.constant 0 : i32
        %dma_start3A_75 = arith.constant 0 : i32
        %dma_start3A_76 = tpu.memref_slice %arg3[%add3A_58, %dma_start3A_74, %dma_start3A_75] : memref<25x32x400xi32, #tpu.memory_space<hbm>> -> memref<1x32x400xi32, #tpu.memory_space<hbm>>
        %dma_start3A_77 = tpu.memref_squeeze %dma_start3A_76 : memref<1x32x400xi32, #tpu.memory_space<hbm>> -> memref<32x400xi32, #tpu.memory_space<hbm>>
        tpu.enqueue_dma source(%dma_start3A_77 : memref<32x400xi32, #tpu.memory_space<hbm>>) target(%dma_start3A_73 : memref<32x400xi32, #tpu.memory_space<vmem>>) target_semaphore(%dma_start3A_69 : memref<!tpu.dma_semaphore, #tpu.memory_space<semaphore_mem>>)
      } else {
      }
      %dma_wait3A = arith.constant 0 : i32
      %dma_wait3A_36 = arith.constant 0 : i32
      %dma_wait3A_37 = tpu.memref_slice %arg6[%rem3A_31, %dma_wait3A, %dma_wait3A_36] : memref<2x32x400xi32, #tpu.memory_space<vmem>> -> memref<1x32x400xi32, #tpu.memory_space<vmem>>
      %dma_wait3A_38 = tpu.memref_squeeze %dma_wait3A_37 : memref<1x32x400xi32, #tpu.memory_space<vmem>> -> memref<32x400xi32, #tpu.memory_space<vmem>>
      %dma_wait3A_39 = arith.constant 0 : i32
      %dma_wait3A_40 = arith.constant 0 : i32
      %dma_wait3A_41 = tpu.memref_slice %arg3[%scan3A_30, %dma_wait3A_39, %dma_wait3A_40] : memref<25x32x400xi32, #tpu.memory_space<hbm>> -> memref<1x32x400xi32, #tpu.memory_space<hbm>>
      %dma_wait3A_42 = tpu.memref_squeeze %dma_wait3A_41 : memref<1x32x400xi32, #tpu.memory_space<hbm>> -> memref<32x400xi32, #tpu.memory_space<hbm>>
      %dma_wait3A_43 = tpu.memref_slice %arg8[%rem3A_31] : memref<2x!tpu.dma_semaphore, #tpu.memory_space<semaphore_mem>> -> memref<1x!tpu.dma_semaphore, #tpu.memory_space<semaphore_mem>>
      %dma_wait3A_44 = tpu.memref_squeeze %dma_wait3A_43 : memref<1x!tpu.dma_semaphore, #tpu.memory_space<semaphore_mem>> -> memref<!tpu.dma_semaphore, #tpu.memory_space<semaphore_mem>>
      %dma_wait3A_45 = arith.constant 0 : i32
      %dma_wait3A_46 = arith.constant 0 : i32
      %dma_wait3A_47 = tpu.memref_slice %arg6[%rem3A_31, %dma_wait3A_45, %dma_wait3A_46] : memref<2x32x400xi32, #tpu.memory_space<vmem>> -> memref<1x32x400xi32, #tpu.memory_space<vmem>>
      %dma_wait3A_48 = tpu.memref_squeeze %dma_wait3A_47 : memref<1x32x400xi32, #tpu.memory_space<vmem>> -> memref<32x400xi32, #tpu.memory_space<vmem>>
      %dma_wait3A_49 = arith.constant 0 : i32
      %dma_wait3A_50 = arith.constant 0 : i32
      %dma_wait3A_51 = tpu.memref_slice %arg3[%scan3A_30, %dma_wait3A_49, %dma_wait3A_50] : memref<25x32x400xi32, #tpu.memory_space<hbm>> -> memref<1x32x400xi32, #tpu.memory_space<hbm>>
      %dma_wait3A_52 = tpu.memref_squeeze %dma_wait3A_51 : memref<1x32x400xi32, #tpu.memory_space<hbm>> -> memref<32x400xi32, #tpu.memory_space<hbm>>
      tpu.wait_dma2 semaphore(%dma_wait3A_44 : memref<!tpu.dma_semaphore, #tpu.memory_space<semaphore_mem>>) src(%dma_wait3A_52 : memref<32x400xi32, #tpu.memory_space<hbm>>) dst(%dma_wait3A_48 : memref<32x400xi32, #tpu.memory_space<vmem>>)
      %mul3A_53 = arith.constant 400 : i32
      %mul3A_54 = arith.muli %scan3A_30, %mul3A_53 : i32
      %parallel_loop3A = arith.constant 0 : i32
      %parallel_loop3A_55 = arith.constant 25 : i32
      %parallel_loop3A_56 = arith.constant 1 : i32
      scf.for %parallel_loop3A_57 = %parallel_loop3A to %parallel_loop3A_55 step %parallel_loop3A_56  : i32 {
        %parallel_loop3A_58 = arith.constant 16 : i32
        %parallel_loop3A_59 = arith.muli %parallel_loop3A_57, %parallel_loop3A_58 : i32
        %parallel_loop3A_60 = arith.constant 0xFF800000 : f32
        %parallel_loop3A_61 = vector.broadcast %parallel_loop3A_60 : f32 to vector<16xf32>
        %parallel_loop3A_62 = arith.constant 0 : i32
        %parallel_loop3A_63 = arith.constant 4 : i32
        %parallel_loop3A_64 = arith.addi %parallel_loop3A_62, %parallel_loop3A_63 : i32
        %parallel_loop3A_65 = arith.constant 1 : i32
        %parallel_loop3A_66:4 = scf.for %scan3A_88 = %parallel_loop3A_62 to %parallel_loop3A_64 step %parallel_loop3A_65 iter_args(%scan3A_89 = %parallel_loop3A_61, %scan3A_90 = %parallel_loop3A_61, %scan3A_91 = %parallel_loop3A_61, %scan3A_92 = %parallel_loop3A_61) -> (vector<16xf32>, vector<16xf32>, vector<16xf32>, vector<16xf32>)  : i32 {
          %parallel_loop3A_93 = arith.constant 8 : i32
          %parallel_loop3A_94 = arith.muli %scan3A_88, %parallel_loop3A_93 : i32
          %parallel_loop3A_95 = arith.constant 0 : i32
          %parallel_loop3A_96 = arith.addi %parallel_loop3A_94, %parallel_loop3A_95 : i32
          %parallel_loop3A_97 = arith.index_cast %rem3A_31 : i32 to index
          %parallel_loop3A_98 = arith.index_cast %parallel_loop3A_96 : i32 to index
          %parallel_loop3A_99 = arith.index_cast %parallel_loop3A_59 : i32 to index
          %parallel_loop3A_100 = tpu.vector_load %arg6[%parallel_loop3A_97, %parallel_loop3A_98, %parallel_loop3A_99] {strides = array<i32>} : memref<2x32x400xi32, #tpu.memory_space<vmem>>, vector<16xi32>,
          %parallel_loop3A_101 = arith.constant 0 : i32
          %parallel_loop3A_102 = vector.broadcast %parallel_loop3A_101 : i32 to vector<16xi32>
          %parallel_loop3A_103 = arith.addi %parallel_loop3A_100, %parallel_loop3A_102 : vector<16xi32>
          %parallel_loop3A_104 = tpu.vector_load_idx %arg5[%parallel_loop3A_103] : memref<40000xf32, #tpu.memory_space<vmem>>[vector<16xi32>], vector<16xf32>,
          %parallel_loop3A_105 = arith.maximumf %scan3A_89, %parallel_loop3A_104 : vector<16xf32>
          %parallel_loop3A_106 = arith.constant 10000 : i32
          %parallel_loop3A_107 = vector.broadcast %parallel_loop3A_106 : i32 to vector<16xi32>
          %parallel_loop3A_108 = arith.addi %parallel_loop3A_100, %parallel_loop3A_107 : vector<16xi32>
          %parallel_loop3A_109 = tpu.vector_load_idx %arg5[%parallel_loop3A_108] : memref<40000xf32, #tpu.memory_space<vmem>>[vector<16xi32>], vector<16xf32>,
          %parallel_loop3A_110 = arith.maximumf %scan3A_90, %parallel_loop3A_109 : vector<16xf32>
          %parallel_loop3A_111 = arith.constant 20000 : i32
          %parallel_loop3A_112 = vector.broadcast %parallel_loop3A_111 : i32 to vector<16xi32>
          %parallel_loop3A_113 = arith.addi %parallel_loop3A_100, %parallel_loop3A_112 : vector<16xi32>
          %parallel_loop3A_114 = tpu.vector_load_idx %arg5[%parallel_loop3A_113] : memref<40000xf32, #tpu.memory_space<vmem>>[vector<16xi32>], vector<16xf32>,
          %parallel_loop3A_115 = arith.maximumf %scan3A_91, %parallel_loop3A_114 : vector<16xf32>
          %parallel_loop3A_116 = arith.constant 30000 : i32
          %parallel_loop3A_117 = vector.broadcast %parallel_loop3A_116 : i32 to vector<16xi32>
          %parallel_loop3A_118 = arith.addi %parallel_loop3A_100, %parallel_loop3A_117 : vector<16xi32>
          %parallel_loop3A_119 = tpu.vector_load_idx %arg5[%parallel_loop3A_118] : memref<40000xf32, #tpu.memory_space<vmem>>[vector<16xi32>], vector<16xf32>,
          %parallel_loop3A_120 = arith.maximumf %scan3A_92, %parallel_loop3A_119 : vector<16xf32>
          %parallel_loop3A_121 = arith.constant 8 : i32
          %parallel_loop3A_122 = arith.muli %scan3A_88, %parallel_loop3A_121 : i32
          %parallel_loop3A_123 = arith.constant 1 : i32
          %parallel_loop3A_124 = arith.addi %parallel_loop3A_122, %parallel_loop3A_123 : i32
          %parallel_loop3A_125 = arith.index_cast %rem3A_31 : i32 to index
          %parallel_loop3A_126 = arith.index_cast %parallel_loop3A_124 : i32 to index
          %parallel_loop3A_127 = arith.index_cast %parallel_loop3A_59 : i32 to index
          %parallel_loop3A_128 = tpu.vector_load %arg6[%parallel_loop3A_125, %parallel_loop3A_126, %parallel_loop3A_127] {strides = array<i32>} : memref<2x32x400xi32, #tpu.memory_space<vmem>>, vector<16xi32>,
          %parallel_loop3A_129 = arith.constant 0 : i32
          %parallel_loop3A_130 = vector.broadcast %parallel_loop3A_129 : i32 to vector<16xi32>
          %parallel_loop3A_131 = arith.addi %parallel_loop3A_128, %parallel_loop3A_130 : vector<16xi32>
          %parallel_loop3A_132 = tpu.vector_load_idx %arg5[%parallel_loop3A_131] : memref<40000xf32, #tpu.memory_space<vmem>>[vector<16xi32>], vector<16xf32>,
          %parallel_loop3A_133 = arith.maximumf %parallel_loop3A_105, %parallel_loop3A_132 : vector<16xf32>
          %parallel_loop3A_134 = arith.constant 10000 : i32
          %parallel_loop3A_135 = vector.broadcast %parallel_loop3A_134 : i32 to vector<16xi32>
          %parallel_loop3A_136 = arith.addi %parallel_loop3A_128, %parallel_loop3A_135 : vector<16xi32>
          %parallel_loop3A_137 = tpu.vector_load_idx %arg5[%parallel_loop3A_136] : memref<40000xf32, #tpu.memory_space<vmem>>[vector<16xi32>], vector<16xf32>,
          %parallel_loop3A_138 = arith.maximumf %parallel_loop3A_110, %parallel_loop3A_137 : vector<16xf32>
          %parallel_loop3A_139 = arith.constant 20000 : i32
          %parallel_loop3A_140 = vector.broadcast %parallel_loop3A_139 : i32 to vector<16xi32>
          %parallel_loop3A_141 = arith.addi %parallel_loop3A_128, %parallel_loop3A_140 : vector<16xi32>
          %parallel_loop3A_142 = tpu.vector_load_idx %arg5[%parallel_loop3A_141] : memref<40000xf32, #tpu.memory_space<vmem>>[vector<16xi32>], vector<16xf32>,
          %parallel_loop3A_143 = arith.maximumf %parallel_loop3A_115, %parallel_loop3A_142 : vector<16xf32>
          %parallel_loop3A_144 = arith.constant 30000 : i32
          %parallel_loop3A_145 = vector.broadcast %parallel_loop3A_144 : i32 to vector<16xi32>
          %parallel_loop3A_146 = arith.addi %parallel_loop3A_128, %parallel_loop3A_145 : vector<16xi32>
          %parallel_loop3A_147 = tpu.vector_load_idx %arg5[%parallel_loop3A_146] : memref<40000xf32, #tpu.memory_space<vmem>>[vector<16xi32>], vector<16xf32>,
          %parallel_loop3A_148 = arith.maximumf %parallel_loop3A_120, %parallel_loop3A_147 : vector<16xf32>
          %parallel_loop3A_149 = arith.constant 8 : i32
          %parallel_loop3A_150 = arith.muli %scan3A_88, %parallel_loop3A_149 : i32
          %parallel_loop3A_151 = arith.constant 2 : i32
          %parallel_loop3A_152 = arith.addi %parallel_loop3A_150, %parallel_loop3A_151 : i32
          %parallel_loop3A_153 = arith.index_cast %rem3A_31 : i32 to index
          %parallel_loop3A_154 = arith.index_cast %parallel_loop3A_152 : i32 to index
          %parallel_loop3A_155 = arith.index_cast %parallel_loop3A_59 : i32 to index
          %parallel_loop3A_156 = tpu.vector_load %arg6[%parallel_loop3A_153, %parallel_loop3A_154, %parallel_loop3A_155] {strides = array<i32>} : memref<2x32x400xi32, #tpu.memory_space<vmem>>, vector<16xi32>,
          %parallel_loop3A_157 = arith.constant 0 : i32
          %parallel_loop3A_158 = vector.broadcast %parallel_loop3A_157 : i32 to vector<16xi32>
          %parallel_loop3A_159 = arith.addi %parallel_loop3A_156, %parallel_loop3A_158 : vector<16xi32>
          %parallel_loop3A_160 = tpu.vector_load_idx %arg5[%parallel_loop3A_159] : memref<40000xf32, #tpu.memory_space<vmem>>[vector<16xi32>], vector<16xf32>,
          %parallel_loop3A_161 = arith.maximumf %parallel_loop3A_133, %parallel_loop3A_160 : vector<16xf32>
          %parallel_loop3A_162 = arith.constant 10000 : i32
          %parallel_loop3A_163 = vector.broadcast %parallel_loop3A_162 : i32 to vector<16xi32>
          %parallel_loop3A_164 = arith.addi %parallel_loop3A_156, %parallel_loop3A_163 : vector<16xi32>
          %parallel_loop3A_165 = tpu.vector_load_idx %arg5[%parallel_loop3A_164] : memref<40000xf32, #tpu.memory_space<vmem>>[vector<16xi32>], vector<16xf32>,
          %parallel_loop3A_166 = arith.maximumf %parallel_loop3A_138, %parallel_loop3A_165 : vector<16xf32>
          %parallel_loop3A_167 = arith.constant 20000 : i32
          %parallel_loop3A_168 = vector.broadcast %parallel_loop3A_167 : i32 to vector<16xi32>
          %parallel_loop3A_169 = arith.addi %parallel_loop3A_156, %parallel_loop3A_168 : vector<16xi32>
          %parallel_loop3A_170 = tpu.vector_load_idx %arg5[%parallel_loop3A_169] : memref<40000xf32, #tpu.memory_space<vmem>>[vector<16xi32>], vector<16xf32>,
          %parallel_loop3A_171 = arith.maximumf %parallel_loop3A_143, %parallel_loop3A_170 : vector<16xf32>
          %parallel_loop3A_172 = arith.constant 30000 : i32
          %parallel_loop3A_173 = vector.broadcast %parallel_loop3A_172 : i32 to vector<16xi32>
          %parallel_loop3A_174 = arith.addi %parallel_loop3A_156, %parallel_loop3A_173 : vector<16xi32>
          %parallel_loop3A_175 = tpu.vector_load_idx %arg5[%parallel_loop3A_174] : memref<40000xf32, #tpu.memory_space<vmem>>[vector<16xi32>], vector<16xf32>,
          %parallel_loop3A_176 = arith.maximumf %parallel_loop3A_148, %parallel_loop3A_175 : vector<16xf32>
          %parallel_loop3A_177 = arith.constant 8 : i32
          %parallel_loop3A_178 = arith.muli %scan3A_88, %parallel_loop3A_177 : i32
          %parallel_loop3A_179 = arith.constant 3 : i32
          %parallel_loop3A_180 = arith.addi %parallel_loop3A_178, %parallel_loop3A_179 : i32
          %parallel_loop3A_181 = arith.index_cast %rem3A_31 : i32 to index
          %parallel_loop3A_182 = arith.index_cast %parallel_loop3A_180 : i32 to index
          %parallel_loop3A_183 = arith.index_cast %parallel_loop3A_59 : i32 to index
          %parallel_loop3A_184 = tpu.vector_load %arg6[%parallel_loop3A_181, %parallel_loop3A_182, %parallel_loop3A_183] {strides = array<i32>} : memref<2x32x400xi32, #tpu.memory_space<vmem>>, vector<16xi32>,
          %parallel_loop3A_185 = arith.constant 0 : i32
          %parallel_loop3A_186 = vector.broadcast %parallel_loop3A_185 : i32 to vector<16xi32>
          %parallel_loop3A_187 = arith.addi %parallel_loop3A_184, %parallel_loop3A_186 : vector<16xi32>
          %parallel_loop3A_188 = tpu.vector_load_idx %arg5[%parallel_loop3A_187] : memref<40000xf32, #tpu.memory_space<vmem>>[vector<16xi32>], vector<16xf32>,
          %parallel_loop3A_189 = arith.maximumf %parallel_loop3A_161, %parallel_loop3A_188 : vector<16xf32>
          %parallel_loop3A_190 = arith.constant 10000 : i32
          %parallel_loop3A_191 = vector.broadcast %parallel_loop3A_190 : i32 to vector<16xi32>
          %parallel_loop3A_192 = arith.addi %parallel_loop3A_184, %parallel_loop3A_191 : vector<16xi32>
          %parallel_loop3A_193 = tpu.vector_load_idx %arg5[%parallel_loop3A_192] : memref<40000xf32, #tpu.memory_space<vmem>>[vector<16xi32>], vector<16xf32>,
          %parallel_loop3A_194 = arith.maximumf %parallel_loop3A_166, %parallel_loop3A_193 : vector<16xf32>
          %parallel_loop3A_195 = arith.constant 20000 : i32
          %parallel_loop3A_196 = vector.broadcast %parallel_loop3A_195 : i32 to vector<16xi32>
          %parallel_loop3A_197 = arith.addi %parallel_loop3A_184, %parallel_loop3A_196 : vector<16xi32>
          %parallel_loop3A_198 = tpu.vector_load_idx %arg5[%parallel_loop3A_197] : memref<40000xf32, #tpu.memory_space<vmem>>[vector<16xi32>], vector<16xf32>,
          %parallel_loop3A_199 = arith.maximumf %parallel_loop3A_171, %parallel_loop3A_198 : vector<16xf32>
          %parallel_loop3A_200 = arith.constant 30000 : i32
          %parallel_loop3A_201 = vector.broadcast %parallel_loop3A_200 : i32 to vector<16xi32>
          %parallel_loop3A_202 = arith.addi %parallel_loop3A_184, %parallel_loop3A_201 : vector<16xi32>
          %parallel_loop3A_203 = tpu.vector_load_idx %arg5[%parallel_loop3A_202] : memref<40000xf32, #tpu.memory_space<vmem>>[vector<16xi32>], vector<16xf32>,
          %parallel_loop3A_204 = arith.maximumf %parallel_loop3A_176, %parallel_loop3A_203 : vector<16xf32>
          %parallel_loop3A_205 = arith.constant 8 : i32
          %parallel_loop3A_206 = arith.muli %scan3A_88, %parallel_loop3A_205 : i32
          %parallel_loop3A_207 = arith.constant 4 : i32
          %parallel_loop3A_208 = arith.addi %parallel_loop3A_206, %parallel_loop3A_207 : i32
          %parallel_loop3A_209 = arith.index_cast %rem3A_31 : i32 to index
          %parallel_loop3A_210 = arith.index_cast %parallel_loop3A_208 : i32 to index
          %parallel_loop3A_211 = arith.index_cast %parallel_loop3A_59 : i32 to index
          %parallel_loop3A_212 = tpu.vector_load %arg6[%parallel_loop3A_209, %parallel_loop3A_210, %parallel_loop3A_211] {strides = array<i32>} : memref<2x32x400xi32, #tpu.memory_space<vmem>>, vector<16xi32>,
          %parallel_loop3A_213 = arith.constant 0 : i32
          %parallel_loop3A_214 = vector.broadcast %parallel_loop3A_213 : i32 to vector<16xi32>
          %parallel_loop3A_215 = arith.addi %parallel_loop3A_212, %parallel_loop3A_214 : vector<16xi32>
          %parallel_loop3A_216 = tpu.vector_load_idx %arg5[%parallel_loop3A_215] : memref<40000xf32, #tpu.memory_space<vmem>>[vector<16xi32>], vector<16xf32>,
          %parallel_loop3A_217 = arith.maximumf %parallel_loop3A_189, %parallel_loop3A_216 : vector<16xf32>
          %parallel_loop3A_218 = arith.constant 10000 : i32
          %parallel_loop3A_219 = vector.broadcast %parallel_loop3A_218 : i32 to vector<16xi32>
          %parallel_loop3A_220 = arith.addi %parallel_loop3A_212, %parallel_loop3A_219 : vector<16xi32>
          %parallel_loop3A_221 = tpu.vector_load_idx %arg5[%parallel_loop3A_220] : memref<40000xf32, #tpu.memory_space<vmem>>[vector<16xi32>], vector<16xf32>,
          %parallel_loop3A_222 = arith.maximumf %parallel_loop3A_194, %parallel_loop3A_221 : vector<16xf32>
          %parallel_loop3A_223 = arith.constant 20000 : i32
          %parallel_loop3A_224 = vector.broadcast %parallel_loop3A_223 : i32 to vector<16xi32>
          %parallel_loop3A_225 = arith.addi %parallel_loop3A_212, %parallel_loop3A_224 : vector<16xi32>
          %parallel_loop3A_226 = tpu.vector_load_idx %arg5[%parallel_loop3A_225] : memref<40000xf32, #tpu.memory_space<vmem>>[vector<16xi32>], vector<16xf32>,
          %parallel_loop3A_227 = arith.maximumf %parallel_loop3A_199, %parallel_loop3A_226 : vector<16xf32>
          %parallel_loop3A_228 = arith.constant 30000 : i32
          %parallel_loop3A_229 = vector.broadcast %parallel_loop3A_228 : i32 to vector<16xi32>
          %parallel_loop3A_230 = arith.addi %parallel_loop3A_212, %parallel_loop3A_229 : vector<16xi32>
          %parallel_loop3A_231 = tpu.vector_load_idx %arg5[%parallel_loop3A_230] : memref<40000xf32, #tpu.memory_space<vmem>>[vector<16xi32>], vector<16xf32>,
          %parallel_loop3A_232 = arith.maximumf %parallel_loop3A_204, %parallel_loop3A_231 : vector<16xf32>
          %parallel_loop3A_233 = arith.constant 8 : i32
          %parallel_loop3A_234 = arith.muli %scan3A_88, %parallel_loop3A_233 : i32
          %parallel_loop3A_235 = arith.constant 5 : i32
          %parallel_loop3A_236 = arith.addi %parallel_loop3A_234, %parallel_loop3A_235 : i32
          %parallel_loop3A_237 = arith.index_cast %rem3A_31 : i32 to index
          %parallel_loop3A_238 = arith.index_cast %parallel_loop3A_236 : i32 to index
          %parallel_loop3A_239 = arith.index_cast %parallel_loop3A_59 : i32 to index
          %parallel_loop3A_240 = tpu.vector_load %arg6[%parallel_loop3A_237, %parallel_loop3A_238, %parallel_loop3A_239] {strides = array<i32>} : memref<2x32x400xi32, #tpu.memory_space<vmem>>, vector<16xi32>,
          %parallel_loop3A_241 = arith.constant 0 : i32
          %parallel_loop3A_242 = vector.broadcast %parallel_loop3A_241 : i32 to vector<16xi32>
          %parallel_loop3A_243 = arith.addi %parallel_loop3A_240, %parallel_loop3A_242 : vector<16xi32>
          %parallel_loop3A_244 = tpu.vector_load_idx %arg5[%parallel_loop3A_243] : memref<40000xf32, #tpu.memory_space<vmem>>[vector<16xi32>], vector<16xf32>,
          %parallel_loop3A_245 = arith.maximumf %parallel_loop3A_217, %parallel_loop3A_244 : vector<16xf32>
          %parallel_loop3A_246 = arith.constant 10000 : i32
          %parallel_loop3A_247 = vector.broadcast %parallel_loop3A_246 : i32 to vector<16xi32>
          %parallel_loop3A_248 = arith.addi %parallel_loop3A_240, %parallel_loop3A_247 : vector<16xi32>
          %parallel_loop3A_249 = tpu.vector_load_idx %arg5[%parallel_loop3A_248] : memref<40000xf32, #tpu.memory_space<vmem>>[vector<16xi32>], vector<16xf32>,
          %parallel_loop3A_250 = arith.maximumf %parallel_loop3A_222, %parallel_loop3A_249 : vector<16xf32>
          %parallel_loop3A_251 = arith.constant 20000 : i32
          %parallel_loop3A_252 = vector.broadcast %parallel_loop3A_251 : i32 to vector<16xi32>
          %parallel_loop3A_253 = arith.addi %parallel_loop3A_240, %parallel_loop3A_252 : vector<16xi32>
          %parallel_loop3A_254 = tpu.vector_load_idx %arg5[%parallel_loop3A_253] : memref<40000xf32, #tpu.memory_space<vmem>>[vector<16xi32>], vector<16xf32>,
          %parallel_loop3A_255 = arith.maximumf %parallel_loop3A_227, %parallel_loop3A_254 : vector<16xf32>
          %parallel_loop3A_256 = arith.constant 30000 : i32
          %parallel_loop3A_257 = vector.broadcast %parallel_loop3A_256 : i32 to vector<16xi32>
          %parallel_loop3A_258 = arith.addi %parallel_loop3A_240, %parallel_loop3A_257 : vector<16xi32>
          %parallel_loop3A_259 = tpu.vector_load_idx %arg5[%parallel_loop3A_258] : memref<40000xf32, #tpu.memory_space<vmem>>[vector<16xi32>], vector<16xf32>,
          %parallel_loop3A_260 = arith.maximumf %parallel_loop3A_232, %parallel_loop3A_259 : vector<16xf32>
          %parallel_loop3A_261 = arith.constant 8 : i32
          %parallel_loop3A_262 = arith.muli %scan3A_88, %parallel_loop3A_261 : i32
          %parallel_loop3A_263 = arith.constant 6 : i32
          %parallel_loop3A_264 = arith.addi %parallel_loop3A_262, %parallel_loop3A_263 : i32
          %parallel_loop3A_265 = arith.index_cast %rem3A_31 : i32 to index
          %parallel_loop3A_266 = arith.index_cast %parallel_loop3A_264 : i32 to index
          %parallel_loop3A_267 = arith.index_cast %parallel_loop3A_59 : i32 to index
          %parallel_loop3A_268 = tpu.vector_load %arg6[%parallel_loop3A_265, %parallel_loop3A_266, %parallel_loop3A_267] {strides = array<i32>} : memref<2x32x400xi32, #tpu.memory_space<vmem>>, vector<16xi32>,
          %parallel_loop3A_269 = arith.constant 0 : i32
          %parallel_loop3A_270 = vector.broadcast %parallel_loop3A_269 : i32 to vector<16xi32>
          %parallel_loop3A_271 = arith.addi %parallel_loop3A_268, %parallel_loop3A_270 : vector<16xi32>
          %parallel_loop3A_272 = tpu.vector_load_idx %arg5[%parallel_loop3A_271] : memref<40000xf32, #tpu.memory_space<vmem>>[vector<16xi32>], vector<16xf32>,
          %parallel_loop3A_273 = arith.maximumf %parallel_loop3A_245, %parallel_loop3A_272 : vector<16xf32>
          %parallel_loop3A_274 = arith.constant 10000 : i32
          %parallel_loop3A_275 = vector.broadcast %parallel_loop3A_274 : i32 to vector<16xi32>
          %parallel_loop3A_276 = arith.addi %parallel_loop3A_268, %parallel_loop3A_275 : vector<16xi32>
          %parallel_loop3A_277 = tpu.vector_load_idx %arg5[%parallel_loop3A_276] : memref<40000xf32, #tpu.memory_space<vmem>>[vector<16xi32>], vector<16xf32>,
          %parallel_loop3A_278 = arith.maximumf %parallel_loop3A_250, %parallel_loop3A_277 : vector<16xf32>
          %parallel_loop3A_279 = arith.constant 20000 : i32
          %parallel_loop3A_280 = vector.broadcast %parallel_loop3A_279 : i32 to vector<16xi32>
          %parallel_loop3A_281 = arith.addi %parallel_loop3A_268, %parallel_loop3A_280 : vector<16xi32>
          %parallel_loop3A_282 = tpu.vector_load_idx %arg5[%parallel_loop3A_281] : memref<40000xf32, #tpu.memory_space<vmem>>[vector<16xi32>], vector<16xf32>,
          %parallel_loop3A_283 = arith.maximumf %parallel_loop3A_255, %parallel_loop3A_282 : vector<16xf32>
          %parallel_loop3A_284 = arith.constant 30000 : i32
          %parallel_loop3A_285 = vector.broadcast %parallel_loop3A_284 : i32 to vector<16xi32>
          %parallel_loop3A_286 = arith.addi %parallel_loop3A_268, %parallel_loop3A_285 : vector<16xi32>
          %parallel_loop3A_287 = tpu.vector_load_idx %arg5[%parallel_loop3A_286] : memref<40000xf32, #tpu.memory_space<vmem>>[vector<16xi32>], vector<16xf32>,
          %parallel_loop3A_288 = arith.maximumf %parallel_loop3A_260, %parallel_loop3A_287 : vector<16xf32>
          %parallel_loop3A_289 = arith.constant 8 : i32
          %parallel_loop3A_290 = arith.muli %scan3A_88, %parallel_loop3A_289 : i32
          %parallel_loop3A_291 = arith.constant 7 : i32
          %parallel_loop3A_292 = arith.addi %parallel_loop3A_290, %parallel_loop3A_291 : i32
          %parallel_loop3A_293 = arith.index_cast %rem3A_31 : i32 to index
          %parallel_loop3A_294 = arith.index_cast %parallel_loop3A_292 : i32 to index
          %parallel_loop3A_295 = arith.index_cast %parallel_loop3A_59 : i32 to index
          %parallel_loop3A_296 = tpu.vector_load %arg6[%parallel_loop3A_293, %parallel_loop3A_294, %parallel_loop3A_295] {strides = array<i32>} : memref<2x32x400xi32, #tpu.memory_space<vmem>>, vector<16xi32>,
          %parallel_loop3A_297 = arith.constant 0 : i32
          %parallel_loop3A_298 = vector.broadcast %parallel_loop3A_297 : i32 to vector<16xi32>
          %parallel_loop3A_299 = arith.addi %parallel_loop3A_296, %parallel_loop3A_298 : vector<16xi32>
          %parallel_loop3A_300 = tpu.vector_load_idx %arg5[%parallel_loop3A_299] : memref<40000xf32, #tpu.memory_space<vmem>>[vector<16xi32>], vector<16xf32>,
          %parallel_loop3A_301 = arith.maximumf %parallel_loop3A_273, %parallel_loop3A_300 : vector<16xf32>
          %parallel_loop3A_302 = arith.constant 10000 : i32
          %parallel_loop3A_303 = vector.broadcast %parallel_loop3A_302 : i32 to vector<16xi32>
          %parallel_loop3A_304 = arith.addi %parallel_loop3A_296, %parallel_loop3A_303 : vector<16xi32>
          %parallel_loop3A_305 = tpu.vector_load_idx %arg5[%parallel_loop3A_304] : memref<40000xf32, #tpu.memory_space<vmem>>[vector<16xi32>], vector<16xf32>,
          %parallel_loop3A_306 = arith.maximumf %parallel_loop3A_278, %parallel_loop3A_305 : vector<16xf32>
          %parallel_loop3A_307 = arith.constant 20000 : i32
          %parallel_loop3A_308 = vector.broadcast %parallel_loop3A_307 : i32 to vector<16xi32>
          %parallel_loop3A_309 = arith.addi %parallel_loop3A_296, %parallel_loop3A_308 : vector<16xi32>
          %parallel_loop3A_310 = tpu.vector_load_idx %arg5[%parallel_loop3A_309] : memref<40000xf32, #tpu.memory_space<vmem>>[vector<16xi32>], vector<16xf32>,
          %parallel_loop3A_311 = arith.maximumf %parallel_loop3A_283, %parallel_loop3A_310 : vector<16xf32>
          %parallel_loop3A_312 = arith.constant 30000 : i32
          %parallel_loop3A_313 = vector.broadcast %parallel_loop3A_312 : i32 to vector<16xi32>
          %parallel_loop3A_314 = arith.addi %parallel_loop3A_296, %parallel_loop3A_313 : vector<16xi32>
          %parallel_loop3A_315 = tpu.vector_load_idx %arg5[%parallel_loop3A_314] : memref<40000xf32, #tpu.memory_space<vmem>>[vector<16xi32>], vector<16xf32>,
          %parallel_loop3A_316 = arith.maximumf %parallel_loop3A_288, %parallel_loop3A_315 : vector<16xf32>
          scf.yield %parallel_loop3A_301, %parallel_loop3A_306, %parallel_loop3A_311, %parallel_loop3A_316 : vector<16xf32>, vector<16xf32>, vector<16xf32>, vector<16xf32>
        }
        %parallel_loop3A_67 = arith.constant 4 : i32
        %parallel_loop3A_68 = arith.addi %mul3A_54, %parallel_loop3A_59 : i32
        %parallel_loop3A_69 = arith.constant 0 : i32
        %parallel_loop3A_70 = arith.index_cast %parallel_loop3A_69 : i32 to index
        %parallel_loop3A_71 = arith.index_cast %parallel_loop3A_68 : i32 to index
        %parallel_loop3A_72 = tpu.vector_load %arg7[%parallel_loop3A_70, %parallel_loop3A_71] {strides = array<i32>} : memref<4x10000xf32, #tpu.memory_space<vmem>>, vector<16xf32>,
        tpu.vector_store %arg7[%parallel_loop3A_70, %parallel_loop3A_71], %parallel_loop3A_66#0 {strides = array<i32>} : memref<4x10000xf32, #tpu.memory_space<vmem>>, vector<16xf32>,
        %parallel_loop3A_73 = arith.addi %mul3A_54, %parallel_loop3A_59 : i32
        %parallel_loop3A_74 = arith.constant 1 : i32
        %parallel_loop3A_75 = arith.index_cast %parallel_loop3A_74 : i32 to index
        %parallel_loop3A_76 = arith.index_cast %parallel_loop3A_73 : i32 to index
        %parallel_loop3A_77 = tpu.vector_load %arg7[%parallel_loop3A_75, %parallel_loop3A_76] {strides = array<i32>} : memref<4x10000xf32, #tpu.memory_space<vmem>>, vector<16xf32>,
        tpu.vector_store %arg7[%parallel_loop3A_75, %parallel_loop3A_76], %parallel_loop3A_66#1 {strides = array<i32>} : memref<4x10000xf32, #tpu.memory_space<vmem>>, vector<16xf32>,
        %parallel_loop3A_78 = arith.addi %mul3A_54, %parallel_loop3A_59 : i32
        %parallel_loop3A_79 = arith.constant 2 : i32
        %parallel_loop3A_80 = arith.index_cast %parallel_loop3A_79 : i32 to index
        %parallel_loop3A_81 = arith.index_cast %parallel_loop3A_78 : i32 to index
        %parallel_loop3A_82 = tpu.vector_load %arg7[%parallel_loop3A_80, %parallel_loop3A_81] {strides = array<i32>} : memref<4x10000xf32, #tpu.memory_space<vmem>>, vector<16xf32>,
        tpu.vector_store %arg7[%parallel_loop3A_80, %parallel_loop3A_81], %parallel_loop3A_66#2 {strides = array<i32>} : memref<4x10000xf32, #tpu.memory_space<vmem>>, vector<16xf32>,
        %parallel_loop3A_83 = arith.addi %mul3A_54, %parallel_loop3A_59 : i32
        %parallel_loop3A_84 = arith.constant 3 : i32
        %parallel_loop3A_85 = arith.index_cast %parallel_loop3A_84 : i32 to index
        %parallel_loop3A_86 = arith.index_cast %parallel_loop3A_83 : i32 to index
        %parallel_loop3A_87 = tpu.vector_load %arg7[%parallel_loop3A_85, %parallel_loop3A_86] {strides = array<i32>} : memref<4x10000xf32, #tpu.memory_space<vmem>>, vector<16xf32>,
        tpu.vector_store %arg7[%parallel_loop3A_85, %parallel_loop3A_86], %parallel_loop3A_66#3 {strides = array<i32>} : memref<4x10000xf32, #tpu.memory_space<vmem>>, vector<16xf32>,
      } {sc.loop_unroll_factor = 5 : i64, sc.parallel_access}
    }
    %scan3A_29 = arith.constant 25 : i32
    "tpu.region"() ({
      %run_scoped3A = tpu.sem_alloc : memref<!tpu.dma_semaphore, #tpu.memory_space<semaphore_mem>>
      %dma_start3A_30 = arith.constant 0 : i32
      %dma_start3A_31 = tpu.memref_slice %arg4[%mul3A_2, %dma_start3A_30] : memref<128x10000xf32, #tpu.memory_space<hbm>> -> memref<4x10000xf32, #tpu.memory_space<hbm>>
      %dma_start3A_32 = arith.constant 0 : i32
      %dma_start3A_33 = tpu.memref_slice %arg4[%mul3A_2, %dma_start3A_32] : memref<128x10000xf32, #tpu.memory_space<hbm>> -> memref<4x10000xf32, #tpu.memory_space<hbm>>
      tpu.enqueue_dma source(%arg7 : memref<4x10000xf32, #tpu.memory_space<vmem>>) target(%dma_start3A_33 : memref<4x10000xf32, #tpu.memory_space<hbm>>) target_semaphore(%run_scoped3A : memref<!tpu.dma_semaphore, #tpu.memory_space<semaphore_mem>>)
      %dma_wait3A = arith.constant 0 : i32
      %dma_wait3A_34 = tpu.memref_slice %arg4[%mul3A_2, %dma_wait3A] : memref<128x10000xf32, #tpu.memory_space<hbm>> -> memref<4x10000xf32, #tpu.memory_space<hbm>>
      %dma_wait3A_35 = arith.constant 0 : i32
      %dma_wait3A_36 = tpu.memref_slice %arg4[%mul3A_2, %dma_wait3A_35] : memref<128x10000xf32, #tpu.memory_space<hbm>> -> memref<4x10000xf32, #tpu.memory_space<hbm>>
      tpu.wait_dma2 semaphore(%run_scoped3A : memref<!tpu.dma_semaphore, #tpu.memory_space<semaphore_mem>>) src(%arg7 : memref<4x10000xf32, #tpu.memory_space<vmem>>) dst(%dma_wait3A_36 : memref<4x10000xf32, #tpu.memory_space<hbm>>)
      tpu.yield
    }) : () -> ()
    return
  }
}

</mosaic_0001>

<sc_bundles>
// kernel: kernel.3.cloned.1.call-start
scs
__scs_entry_jumppad:
0x0: {  	(pc) =	sbr.rel $0x88, $3  }
0x1: {  	(tag) =	ssettag $0x0;
	lr =	simm.s32 $0x1  }
0x2: {  	[smem:$0x3F9F] =	sst lr;
	_ =	strace $0xD0000000  }
0x3: {  	_ = 	snop  }
0x4: {  	_ = 	snop  }
0x5: {  	_ = 	snop  }
0x6: {  	_ = 	snop  }
0x7: {  	_ = 	snop  }
__scs_overlays_trampoline_lowered:
0x8: {  	[smem:$0x3FAE] =	sst s0  }
0x9: {  	[smem:$0x3FAF] =	sst s1  }
0xa: {  	[smem:$0x3FB0] =	sst s2  }
0xb: {  	[smem:$0x3FB1] =	sst s3  }
0xc: {  	[smem:$0x3FB2] =	sst s4  }
0xd: {  	[smem:$0x3FB3] =	sst s5  }
0xe: {  	[smem:$0x3FB4] =	sst s6  }
0xf: {  	[smem:$0x3FB5] =	sst s7  }
0x10: {  	[smem:$0x3FB6] =	sst s8  }
0x11: {  	[smem:$0x3FB7] =	sst s9;
	s0 =	simm.s32 @!p0 $0x0  }
0x12: {  	s1 =	sld [smem:$0x3F9D];
	s0 =	simm.s32 @p0 $0x1  }
0x13: {  	[smem:$0x3FB8] =	sst s0;
	s0 =	simm.s32 @!p1 $0x0  }
0x14: {  	s2 =	sld [smem:$0x3F9C];
	s0 =	simm.s32 @p1 $0x1  }
0x15: {  	[smem:$0x3FB9] =	sst s0;
	s0 =	simm.s32 @!p2 $0x0  }
0x16: {  	s3 =	sld [smem:$0x3FDB];
	s0 =	simm.s32 @p2 $0x1  }
0x17: {  	s4 =	simm.s32 $0x1BF5;
	[smem:$0x3FBB] =	sst s0  }
0x18: {  	s0 =	sld [smem:$0x3F9E];
	_ =	swait.ge [sflag:s4], $0x0  }
0x19: {  	s7 =	sld [smem:$0x3F9F]  }
0x1a: {  	s8 =	sadd.s32 $0xFFFFE003, lr  }
0x1b: {  	s9 =	sadd.s32 $0xFFFFFEF7, lr;
	s5 =	simm.s32 $0xFFFFFFFF;
	p2 =	slt.u32 s8, $0xFFFFF086  }
0x1c: {  	p1 =	slt.u32 s9, $0xF7A;
	s5 =	simm.s32 @!p2 $0x0  }
0x1d: {  	s5 =	simm.s32 @p1 $0x1;
	p0 =	seq.s32 s7, s2  }
0x1e: {  	s7 =	smul.u32 @!p0 $0xF7A, s2;
	p2 =	seq.s32 @!p0 s5, $0x0  }
0x1f: {  	s9 =	smul.u32 $0xF7A, s1;
	s8 =	simm.s32 @!p0 $0x1BF5;
	p2 =	por !p2, p0  }
0x20: {  	[sflag:s8] =	ssyncset.s32 @!p0 $0xFFFFF086;
	s6 =	sadd.s32 @!p0 s3, s7;
	s7 =	simm.s32 @!p0 $0x108  }
0x21: {  	s3 =	sadd.s32 s3, s9;
	s6 =	sadd.s32 @!p0 $0x88, s6;
	s7 =	simm.s32 @p2 $0x1082  }
0x22: {  	[simem:s7], [sflag:s8] =	dma.local @!p0 [hbm:s6], $0xF7A  }
0x23: {  	s9 =	sor.u32 $0xD0000000, s2;
	s6 =	simm.s32 $0x108;
	_ =	swait.ge @!p0 [sflag:s8], $0x0  }
0x24: {  	s3 =	sadd.s32 $0x88, s3;
	s6 =	simm.s32 @!p1 $0x1082;
	[sflag:s4] =	ssyncset.s32 $0xFFFFF086  }
0x25: {  	[simem:s6], [sflag:s4] =	dma.local [hbm:s3], $0xF7A  }
0x26: {  	[smem:$0x3F9F] =	sst s1;
	(tag) =	ssettag s2;
	_ =	strace s9  }
0x27: {  	s1 =	sld [smem:$0x3FAF]  }
0x28: {  	s2 =	sld [smem:$0x3FB0]  }
0x29: {  	s4 =	sld [smem:$0x3FB2]  }
0x2a: {  	p0 =	seq.s32 s5, $0x0;
	s5 =	sld [smem:$0x3FB3]  }
0x2b: {  	s6 =	sld [smem:$0x3FB4]  }
0x2c: {  	s7 =	sld [smem:$0x3FB5]  }
0x2d: {  	s3 =	simm.s32 $0x108;
	s8 =	sld [smem:$0x3FB6]  }
0x2e: {  	s3 =	simm.s32 @!p0 $0x1082;
	s9 =	sld [smem:$0x3FB7]  }
0x2f: {  	lr =	sadd.s32 s0, s3;
	s0 =	sld [smem:$0x3FAE]  }
0x30: {  	s3 =	sld [smem:$0x3FB1]  }
0x31: {  	[smem:$0x3FBA] =	sst s10  }
0x32: {  	s10 =	sld [smem:$0x3FB8];
	_ =	sdelay $0x3  }
0x33: {  	p0 =	seq.s32 s10, $0x1;
	s10 =	sld [smem:$0x3FBA];
	_ =	sdelay $0x3  }
0x34: {  	[smem:$0x3FBA] =	sst s10  }
0x35: {  	s10 =	sld [smem:$0x3FB9];
	_ =	sdelay $0x3  }
0x36: {  	p1 =	seq.s32 s10, $0x1;
	s10 =	sld [smem:$0x3FBA];
	_ =	sdelay $0x3  }
0x37: {  	[smem:$0x3FBA] =	sst s10  }
0x38: {  	s10 =	sld [smem:$0x3FBB]  }
0x39: {  	_ = 	snop;
	(pc) =	sbr.ind lr, $3  }
0x3a: {  	_ = 	snop  }
0x3b: {  	_ = 	snop  }
0x3c: {  	p2 =	seq.s32 s10, $0x1;
	s10 =	sld [smem:$0x3FBA]  }
0x3d: {  	_ =	shalt  }
0x3e: {  	_ =	shalt  }
0x3f: {  	_ =	shalt  }
0x40: {  	_ =	shalt  }
0x41: {  	_ =	shalt  }
0x42: {  	_ =	shalt  }
0x43: {  	_ =	shalt  }
0x44: {  	_ =	shalt  }
0x45: {  	_ =	shalt  }
0x46: {  	_ =	shalt  }
0x47: {  	_ =	shalt  }
0x48: {  	_ =	shalt  }
0x49: {  	_ =	shalt  }
0x4a: {  	_ =	shalt  }
0x4b: {  	_ =	shalt  }
0x4c: {  	_ =	shalt  }
0x4d: {  	_ =	shalt  }
0x4e: {  	_ =	shalt  }
0x4f: {  	_ =	shalt  }
0x50: {  	_ =	shalt  }
0x51: {  	_ =	shalt  }
0x52: {  	_ =	shalt  }
0x53: {  	_ =	shalt  }
0x54: {  	_ =	shalt  }
0x55: {  	_ =	shalt  }
0x56: {  	_ =	shalt  }
0x57: {  	_ =	shalt  }
0x58: {  	_ =	shalt  }
0x59: {  	_ =	shalt  }
0x5a: {  	_ =	shalt  }
0x5b: {  	_ =	shalt  }
0x5c: {  	_ =	shalt  }
0x5d: {  	_ =	shalt  }
0x5e: {  	_ =	shalt  }
0x5f: {  	_ =	shalt  }
0x60: {  	_ =	shalt  }
0x61: {  	_ =	shalt  }
0x62: {  	_ =	shalt  }
0x63: {  	_ =	shalt  }
0x64: {  	_ =	shalt  }
0x65: {  	_ =	shalt  }
0x66: {  	_ =	shalt  }
0x67: {  	_ =	shalt  }
0x68: {  	_ =	shalt  }
0x69: {  	_ =	shalt  }
0x6a: {  	_ =	shalt  }
0x6b: {  	_ =	shalt  }
0x6c: {  	_ =	shalt  }
0x6d: {  	_ =	shalt  }
0x6e: {  	_ =	shalt  }
0x6f: {  	_ =	shalt  }
0x70: {  	_ =	shalt  }
0x71: {  	_ =	shalt  }
0x72: {  	_ =	shalt  }
0x73: {  	_ =	shalt  }
0x74: {  	_ =	shalt  }
0x75: {  	_ =	shalt  }
0x76: {  	_ =	shalt  }
0x77: {  	_ =	shalt  }
0x78: {  	_ =	shalt  }
0x79: {  	_ =	shalt  }
0x7a: {  	_ =	shalt  }
0x7b: {  	_ =	shalt  }
0x7c: {  	_ =	shalt  }
0x7d: {  	_ =	shalt  }
0x7e: {  	_ =	shalt  }
0x7f: {  	_ =	shalt  }
0x80: {  	_ =	shalt  }
0x81: {  	_ =	shalt  }
0x82: {  	_ =	shalt  }
0x83: {  	_ =	shalt  }
0x84: {  	_ =	shalt  }
0x85: {  	_ =	shalt  }
0x86: {  	_ =	shalt  }
0x87: {  	_ =	shalt  }
.Lfunc_end0:
.L_simem_size_0:
called_computation_lowered:
.L_overlay_start_0:
0x88: {  	s2 =	sld [smem:$0x3FD9]  }
0x89: {  	s3 =	sld [smem:$0x3FFE];
	_ =	sdelay $0x1  }
0x8a: {  	s1 =	srdreg.scid  }
0x8b: {  	s0 =	sand.u32 $0x1, s1  }
0x8c: {  	s17 =	sshll.u32 s0, $0xA;
	s2 =	sadd.s32 s3, s2  }
0x8d: {  	s2 =	sadd.s32 s2, s17  }
0x8e: {  	[smem:$0x3FC6] =	sst s2  }
0x8f: {  	_ = 	snop  }
0x90: {  	s2 =	sld [smem:$0x3FD0];
	(tm) =	ssettm $0x1  }
0x91: {  	s18 =	sld [smem:$0x3FFB];
	_ =	sdelay $0x3  }
0x92: {  	_ =	strace s18  }
0x93: {  	s3 =	sld [smem:$0x3FFC];
	_ =	sdelay $0x3  }
0x94: {  	_ =	strace s3  }
0x95: {  	s3 =	sld [smem:$0x3FFD];
	_ =	sdelay $0x3  }
0x96: {  	_ =	strace s3  }
0x97: {  	_ =	strace $0x8FFFFFFF  }
0x98: {  	s19 =	sld [smem:$0x3FDB];
	_ =	sdelay $0x1  }
0x99: {  	s4 =	simm.s32 $_scs_section_size  }
0x9a: {  	s5 =	simm.s32 $_size__tile_overlayer_lowered;
	s6 =	simm.s32 $_tile_overlayer_lowered  }
0x9b: {  	s22 =	simm.s32 $0x1BFF;
	s21 =	sshll.u32 s6, $0x1;
	s3 =	sadd.s32 s4, s19  }
0x9c: {  	s7 =	simm.s32 $0x0;
	s20 =	sshll.u32 s5, $0x1;
	s5 =	sadd.s32 s21, s3  }
0x9d: {  	[timem:s7], [sflag:s22] =	dma.local [hbm:s5], s20  }
0x9e: {  	_ =	swait.ge [sflag:s22], s20  }
0x9f: {  	s4 =	ssub.s32 $0x0, s20;
	[sflag:s22] =	ssyncset.done $0x0  }
0xa0: {  	[sflag:s22] =	ssyncadd.s32 s4;
	_ =	sdelay $0x1  }
0xa1: {  	s23 =	simm.s32 $0x1B8B  }
0xa2: {  	_ =	swait.ge [sflag:s23], $0x1  }
0xa3: {  	[sflag:s23] =	ssyncset.done $0x0  }
0xa4: {  	s25 =	simm.s32 $0x1B8E;
	s24 =	sld [smem:$0x3FFE];
	[sflag:s23] =	ssyncadd.s32 $0xFFFFFFFF  }
0xa5: {  	s26 =	simm.s32 $execute0_lowered;
	[smem:$0x3FD2] =	sst s25  }
0xa6: {  	s5 =	sshll.u32 s26, $0x1;
	_ =	strace $0x80000046;
	[dreg:$0x1] =	wrdreg $0xFFFFFFFF  }
0xa7: {  	s28 =	simm.s32 $_size_execute0_lowered;
	s3 =	sadd.s32 s3, s5;
	[dreg:$0x0] =	wrdreg $0x0  }
0xa8: {  	s5 =	sshll.u32 s28, $0x1;
	[dreg:$0x2] =	wrdreg s3  }
0xa9: {  	[dreg:$0x3] =	wrdreg s5  }
0xaa: {  	[dreg:$0x4] =	wrdreg $0xC0  }
0xab: {  	_ =	task [dreg:s7], $0x5FFFF  }
0xac: {  	[dreg:$0x1] =	wrdreg $0xFFFFFFFF  }
0xad: {  	[dreg:$0x0] =	wrdreg $0x60  }
0xae: {  	[dreg:$0x2] =	wrdreg s2  }
0xaf: {  	[dreg:$0x3] =	wrdreg s24  }
0xb0: {  	[dreg:$0x4] =	wrdreg $0x9  }
0xb1: {  	_ =	task.clear_ibuf [dreg:s7], $0x5FFFF;
	_ =	strace $0x90000046  }
0xb2: {  	s29 =	simm.s32 $0x9;
	_ =	strace $0x80000048  }
0xb3: {  	_ =	swait.ge [sflag:s29], $0x1  }
0xb4: {  	[sflag:s29] =	ssyncadd.s32 $0xFFFFFFFF  }
0xb5: {  	_ =	strace $0x90000048  }
0xb6: {  	_ =	sfence  }
0xb7: {  	s30 =	sld [smem:$0x0];
	_ =	sdelay $0x2  }
0xb8: {  	s31 =	sshll.u32 s1, $0xD;
	s1 =	sshrl.u32 s1, $0x2  }
0xb9: {  	s3 =	sand.u32 $0x4000, s31;
	s1 =	sadd.s32 s1, s30  }
0xba: {  	s0 =	sor.u32 s3, s0;
	s1 =	sshll.u32 s1, $0x11  }
0xbb: {  	s0 =	sor.u32 s1, s0  }
0xbc: {  	s0 =	sadd.s32 $0x8F2B, s0  }
0xbd: {  	[sflag:s0] =	ssyncadd.remote.s32 $0x1  }
0xbe: {  	_ =	sfence.sel $0xFFFF  }
0xbf: {  	[dreg:$0x0] =	wrdreg $0xFFFFFFFF;
	(pc) =	sbr.abs _section_cstart, $3  }
0xc0: {  	[dreg:$0x1] =	wrdreg $0xFFFFFFFF  }
0xc1: {  	_ =	task.clear_ibuf [dreg:s7], $0x2FFFF;
	_ =	strace $0x9FFFFFFF  }
0xc2: {  	(tm) =	ssettm $0x7FFFFFFF  }
0xc3: {  	_ =	shalt  }
tec
execute0_lowered:
.L_overlay_start_1:
0x0: {  	(tag) =	ssettag $0x1  }
0x1: {  	s0 =	rddreg [dreg:$0x0]  }
0x2: {  	s1 =	rddreg [dreg:$0x1];
	s2 =	simm.s32 $0x0;
	s3 =	srdreg.scid  }
0x3: {  	s6 =	stileid.u32;
	s8 =	simm.s32 $0x3;
	s9 =	simm.s32 $0x200  }
0x4: {  	s10 =	simm.s32 $0x400;
	s11 =	simm.s32 $0x11C80;
	s12 =	simm.s32 $0x0  }
0x5: {  	[smem:$0x7FF] =	sst s2;
	s3 =	sand.u32 $0x1, s3;
	s4 =	smul.u32 $0x13C00, s6  }
0x6: {  	s6 =	sshll.u32 s6, $0x1;
	_ =	strace $0x80000047;
	s5 =	sshll.u32 s3, $0x9  }
0x7: {  	s30 =	ssub.s32 $0x2, s3;
	s3 =	sor.u32 s3, s6;
	s4 =	sor.u32 s5, s4  }
0x8: {  	s31 =	sshrl.u32 s30, $0x1;
	s7 =	smul.u32 $0x1388, s3;
	s4 =	sshrl.u32 s4, $0x3  }
0x9: {  	s3 =	sadd.s32 $0x600, s1;
	s6 =	ssub.s32 s30, s31;
	s1 =	sadd.s32 s4, s1  }
0xa: {  	s4 =	sadd.s32 s0, s7;
	s6 =	smax.u32 s6, $0x1;
	s5 =	sadd.s32 $0xCE00, s1  }
.LBB2_1:
0xb: {  	s0 =	simm.s32 $0x9C80  }
0xc: {  	[tilespmem:s0], [sflag:$0x1] =	stream.linear.gather [hbm4b:s3+s2], $0x4000, $0x38;
	[tilespmem:$0x1BA80] =	vst v63  }
0xd: {  	_ = 	snop  }
0xe: {  	[tilespmem:s2], [sflag:$0x3] =	stream.linear.gather [hbm4b:s4+s2], $0x9C40, $0x38;
	[tilespmem:$0x1BA80] =	vst v63  }
0xf: {  	_ =	swait.ge [sflag:s8], $0x9C40  }
0x10: {  	[sflag:s8] =	ssyncset.done $0x0  }
0x11: {  	p0 =	por $0x0, $0x0;
	s13 =	simm.s32 $0x0;
	[sflag:s8] =	ssyncadd.s32 $0xFFFF63C0  }
.LBB2_3:
0x12: {  	s0 =	smov.u32 s13;
	s1 =	sand.u32 $0x1, s13  }
0x13: {  	p1 =	seq.s32 s13, $0x18;
	s13 =	sadd.s32 $0x1, s13;
	s21 =	simm.s32 $0x0  }
0x14: {  	s18 =	simm.s32 $0x100;
	s19 =	simm.s32 $0x2;
	s20 =	simm.s32 $0x180  }
0x15: {  	s22 =	simm.s32 $0x3;
	s23 =	simm.s32 $0x200;
	s14 =	sxor.u32 @!p1 $0x1, s1  }
0x16: {  	s16 =	sshll.u32 @!p1 s13, $0xB;
	s17 =	simm.s32 @!p1 $0x0;
	s15 =	sshll.u32 @!p1 s14, $0xE  }
0x17: {  	s14 =	sadd.s32 @!p1 $0x1, s14;
	s16 =	sadd.s32 @!p1 s3, s16;
	s15 =	sor.u32 @!p1 $0x9C80, s15  }
0x18: {  	[tilespmem:s15], [sflag:s14] =	stream.linear.gather @!p1 [hbm4b:s16+s17], $0x4000, $0x38;
	[tilespmem:$0x1BA80] =	vst v63  }
0x19: {  	s24 =	simm.s32 $0x4;
	s25 =	simm.s32 $0x0;
	s14 =	simm.s32 $0x1  }
0x1a: {  	s26 =	simm.s32 $0x0;
	s1 =	sadd.s32 $0x1, s1;
	s14 =	simm.s32 @!p0 $0x0  }
0x1b: {  	s16 =	simm.s32 $0x80;
	_ =	swait.ge [sflag:s1], $0x4000;
	s30 =	sshll.u32 s14, $0x10  }
0x1c: {  	s17 =	simm.s32 $0x1;
	[sflag:s1] =	ssyncset.done $0x0;
	s31 =	sshrl.u32 s30, $0x2  }
0x1d: {  	s14 =	smul.u32 $0x190, s0;
	[sflag:s1] =	ssyncadd.s32 $0xFFFFC000;
	s15 =	sadd.s32 $0x9E80, s31  }
.LBB2_4:
0x1e: {  	s0 =	sshll.u32 s26, $0x2;
	s1 =	sand.u32 $0x7, s25  }
0x1f: {  	s0 =	sand.u32 $0xFFFFF000, s0;
	s1 =	sshll.u32 s1, $0x6  }
0x20: {  	s0 =	sor.u32 s1, s0  }
0x21: {  	s0 =	sshrl.u32 s0, $0x2  }
0x22: {  	s0 =	sadd.s32 s0, s15  }
0x23: {  	v2 =	vmov s0;
	_ =	sdelay $0x3  }
0x24: {  	s7 =	simm.s32 $0x0  }
0x25: {  	v1 =	vld.idx.msk [tilespmem:v2+s7+$0x180 ss:$0x1], $0xffff  }
0x26: {  	v5 =	vld.idx.msk [tilespmem:v2+s7+$0x100 ss:$0x1], $0xffff  }
0x27: {  	v7 =	vld.idx.msk [tilespmem:v2+s7+$0x80 ss:$0x1], $0xffff  }
0x28: {  	v11 =	vld.idx.msk [tilespmem:v2+s7+$0x0 ss:$0x1], $0xffff  }
0x29: {  	v15 =	vld.idx.msk [tilespmem:v2+s7+$0xFFFFFF80 ss:$0x1], $0xffff  }
0x2a: {  	v17 =	vld.idx.msk [tilespmem:v2+s7+$0xFFFFFF00 ss:$0x1], $0xffff  }
0x2b: {  	v22 =	vld.idx.msk [tilespmem:v2+s7+$0xFFFFFE80 ss:$0x1], $0xffff  }
0x2c: {  	v23 =	vld.idx.msk [tilespmem:v2+s7+$0xFFFFFE00 ss:$0x1], $0xffff  }
0x2d: {  	v4 =	vld.idx.msk [tilespmem:v1+s2+$0x0], $0xffff  }
0x2e: {  	v6 =	vld.idx.msk [tilespmem:v5+s2+$0x0], $0xffff  }
0x2f: {  	s1 =	sshll.u32 s23, $0x2;
	s7 =	sand.u32 $0x7, s24;
	v10 =	vld.idx.msk [tilespmem:v7+s2+$0x0], $0xffff  }
0x30: {  	s0 =	sand.u32 $0xFFFFF000, s1;
	s1 =	sshll.u32 s7, $0x6;
	v0 =	vadd.s32 $0x2710, v1;
	v12 =	vld.idx.msk [tilespmem:v11+s2+$0x0], $0xffff  }
0x31: {  	s28 =	sshll.u32 s18, $0x2;
	s0 =	sor.u32 s1, s0;
	v3 =	vadd.s32 $0x4E20, v1;
	v16 =	vld.idx.msk [tilespmem:v15+s2+$0x0], $0xffff  }
0x32: {  	s30 =	sshll.u32 s16, $0x2;
	s1 =	sshll.u32 s20, $0x2;
	s0 =	sshrl.u32 s0, $0x2;
	v8 =	vadd.s32 $0x2710, v5;
	v21 =	vld.idx.msk [tilespmem:v17+s2+$0x0], $0xffff  }
0x33: {  	s7 =	sand.u32 $0x7, s22;
	s29 =	sadd.s32 s0, s15;
	s0 =	sand.u32 $0xFFFFF000, s1;
	v9 =	vadd.s32 $0x4E20, v5;
	v24 =	vld.idx.msk [tilespmem:v22+s2+$0x0], $0xffff  }
0x34: {  	s1 =	sshll.u32 s7, $0x6;
	s7 =	sand.u32 $0xFFFFF000, s28;
	s28 =	sand.u32 $0x7, s19;
	v14 =	vadd.s32 $0x2710, v7;
	v25 =	vld.idx.msk [tilespmem:v23+s2+$0x0], $0xffff  }
0x35: {  	s31 =	sand.u32 $0x7, s17;
	s0 =	sor.u32 s1, s0;
	s28 =	sshll.u32 s28, $0x6;
	v27 =	vadd.s32 $0x4E20, v7;
	v0 =	vld.idx.msk [tilespmem:v0+s2+$0x0], $0xffff  }
0x36: {  	v26 =	vadd.s32 $0x2710, v11;
	s1 =	sor.u32 s28, s7;
	s28 =	sand.u32 $0xFFFFF000, s30;
	s30 =	sshll.u32 s31, $0x6;
	v3 =	vld.idx.msk [tilespmem:v3+s2+$0x0], $0xffff  }
0x37: {  	v30 =	vadd.s32 $0x4E20, v11;
	s0 =	sshrl.u32 s0, $0x2;
	s1 =	sshrl.u32 s1, $0x2;
	s28 =	sor.u32 s30, s28;
	v8 =	vld.idx.msk [tilespmem:v8+s2+$0x0], $0xffff  }
0x38: {  	v13 =	vimm.f32 $-Inf;
	v18 =	vimm.f32 $-Inf;
	v28 =	vadd.s32 $0x2710, v15;
	s30 =	sadd.s32 s0, s15;
	s31 =	sadd.s32 s1, s15;
	s7 =	sshrl.u32 s28, $0x2;
	v9 =	vld.idx.msk [tilespmem:v9+s2+$0x0], $0xffff  }
0x39: {  	v19 =	vimm.f32 $-Inf;
	v20 =	vimm.f32 $-Inf;
	v29 =	vadd.s32 $0x4E20, v15;
	s28 =	sshll.u32 s21, $0x4;
	s1 =	simm.s32 $0x4000;
	s0 =	sadd.s32 s7, s15;
	v14 =	vld.idx.msk [tilespmem:v14+s2+$0x0], $0xffff  }
.LBB2_5:
0x3a: {  	p1 =	sne.s32 s1, $0xC000;
	v31 =	vadd.s32 $0x2710, v17;
	v27 =	vld.idx.msk [tilespmem:v27+s2+$0x0], $0xffff  }
0x3b: {  	v32 =	vadd.s32 $0x4E20, v17;
	v26 =	vld.idx.msk [tilespmem:v26+s2+$0x0], $0xffff  }
0x3c: {  	v33 =	vadd.s32 $0x2710, v22;
	v30 =	vld.idx.msk [tilespmem:v30+s2+$0x0], $0xffff  }
0x3d: {  	v34 =	vadd.s32 $0x4E20, v22;
	v28 =	vld.idx.msk [tilespmem:v28+s2+$0x0], $0xffff  }
0x3e: {  	v35 =	vadd.s32 $0x2710, v23;
	v29 =	vld.idx.msk [tilespmem:v29+s2+$0x0], $0xffff  }
0x3f: {  	v36 =	vadd.s32 $0x4E20, v23;
	v31 =	vld.idx.msk [tilespmem:v31+s2+$0x0], $0xffff  }
0x40: {  	v23 =	vadd.s32 $0x7530, v23;
	v32 =	vld.idx.msk [tilespmem:v32+s2+$0x0], $0xffff  }
0x41: {  	v22 =	vadd.s32 $0x7530, v22;
	v33 =	vld.idx.msk [tilespmem:v33+s2+$0x0], $0xffff  }
0x42: {  	v17 =	vadd.s32 $0x7530, v17;
	v34 =	vld.idx.msk [tilespmem:v34+s2+$0x0], $0xffff  }
0x43: {  	v13 =	vmax.f32 v13, v25;
	v15 =	vadd.s32 $0x7530, v15;
	v25 =	vld.idx.msk [tilespmem:v35+s2+$0x0], $0xffff  }
0x44: {  	v11 =	vadd.s32 $0x7530, v11;
	v13 =	vmax.f32 v13, v24;
	v35 =	vld.idx.msk [tilespmem:v36+s2+$0x0], $0xffff  }
0x45: {  	v7 =	vadd.s32 $0x7530, v7;
	v13 =	vmax.f32 v13, v21;
	v23 =	vld.idx.msk [tilespmem:v23+s2+$0x0], $0xffff  }
0x46: {  	v5 =	vadd.s32 $0x7530, v5;
	v13 =	vmax.f32 v13, v16;
	v21 =	vld.idx.msk [tilespmem:v22+s2+$0x0], $0xffff  }
0x47: {  	v1 =	vadd.s32 $0x7530, v1;
	v12 =	vmax.f32 v13, v12;
	v16 =	vld.idx.msk [tilespmem:v17+s2+$0x0], $0xffff  }
0x48: {  	v10 =	vmax.f32 v12, v10;
	v15 =	vld.idx.msk [tilespmem:v15+s2+$0x0], $0xffff  }
0x49: {  	v6 =	vmax.f32 v10, v6;
	v11 =	vld.idx.msk [tilespmem:v11+s2+$0x0], $0xffff  }
0x4a: {  	v13 =	vmax.f32 v6, v4;
	v10 =	vld.idx.msk [tilespmem:v7+s2+$0x0], $0xffff  }
0x4b: {  	v4 =	vmax.f32 v18, v25;
	v6 =	vmax.f32 v19, v35;
	v7 =	vmax.f32 v20, v23;
	v12 =	vld.idx.msk [tilespmem:v5+s2+$0x0], $0xffff  }
0x4c: {  	s7 =	sshra.s32 s1, $0x2;
	v4 =	vmax.f32 v4, v33;
	v5 =	vmax.f32 v6, v34;
	v6 =	vmax.f32 v7, v21;
	v20 =	vld.idx.msk [tilespmem:v1+s2+$0x0], $0xffff  }
0x4d: {  	v4 =	vmax.f32 v4, v31;
	v7 =	vmax.f32 v5, v32;
	v6 =	vmax.f32 v6, v16;
	v1 =	vld.idx.msk [tilespmem:v2+s7+$0x180 ss:$0x1], $0xffff  }
0x4e: {  	v4 =	vmax.f32 v4, v28;
	v16 =	vmax.f32 v7, v29;
	v6 =	vmax.f32 v6, v15;
	v5 =	vld.idx.msk [tilespmem:v2+s7+$0x100 ss:$0x1], $0xffff  }
0x4f: {  	v4 =	vmax.f32 v4, v26;
	v15 =	vmax.f32 v16, v30;
	v6 =	vmax.f32 v6, v11;
	v7 =	vld.idx.msk [tilespmem:v2+s7+$0x80 ss:$0x1], $0xffff  }
0x50: {  	v4 =	vmax.f32 v4, v14;
	v14 =	vmax.f32 v15, v27;
	v6 =	vmax.f32 v6, v10;
	v11 =	vld.idx.msk [tilespmem:v2+s7+$0x0 ss:$0x1], $0xffff  }
0x51: {  	v4 =	vmax.f32 v4, v8;
	v8 =	vmax.f32 v14, v9;
	v6 =	vmax.f32 v6, v12;
	v15 =	vld.idx.msk [tilespmem:v2+s7+$0xFFFFFF80 ss:$0x1], $0xffff  }
0x52: {  	v18 =	vmax.f32 v4, v0;
	v19 =	vmax.f32 v8, v3;
	v20 =	vmax.f32 v6, v20;
	v17 =	vld.idx.msk [tilespmem:v2+s7+$0xFFFFFF00 ss:$0x1], $0xffff  }
0x53: {  	v22 =	vld.idx.msk [tilespmem:v2+s7+$0xFFFFFE80 ss:$0x1], $0xffff  }
0x54: {  	v23 =	vld.idx.msk [tilespmem:v2+s7+$0xFFFFFE00 ss:$0x1], $0xffff  }
0x55: {  	v4 =	vld.idx.msk [tilespmem:v1+s2+$0x0], $0xffff  }
0x56: {  	v6 =	vld.idx.msk [tilespmem:v5+s2+$0x0], $0xffff  }
0x57: {  	v10 =	vld.idx.msk [tilespmem:v7+s2+$0x0], $0xffff  }
0x58: {  	v0 =	vadd.s32 $0x2710, v1;
	v12 =	vld.idx.msk [tilespmem:v11+s2+$0x0], $0xffff  }
0x59: {  	v3 =	vadd.s32 $0x4E20, v1;
	v16 =	vld.idx.msk [tilespmem:v15+s2+$0x0], $0xffff  }
0x5a: {  	v8 =	vadd.s32 $0x2710, v5;
	v21 =	vld.idx.msk [tilespmem:v17+s2+$0x0], $0xffff  }
0x5b: {  	v9 =	vadd.s32 $0x4E20, v5;
	v24 =	vld.idx.msk [tilespmem:v22+s2+$0x0], $0xffff  }
0x5c: {  	v14 =	vadd.s32 $0x2710, v7;
	v25 =	vld.idx.msk [tilespmem:v23+s2+$0x0], $0xffff  }
.Ltmp0:
0x5d: {  	v27 =	vadd.s32 $0x4E20, v7;
	v0 =	vld.idx.msk [tilespmem:v0+s2+$0x0], $0xffff;
	(pc) =	sbr.rel @p1 .LBB2_5-.Ltmp0, $4  }
0x5e: {  	v26 =	vadd.s32 $0x2710, v11;
	v3 =	vld.idx.msk [tilespmem:v3+s2+$0x0], $0xffff  }
0x5f: {  	v30 =	vadd.s32 $0x4E20, v11;
	v8 =	vld.idx.msk [tilespmem:v8+s2+$0x0], $0xffff  }
0x60: {  	v28 =	vadd.s32 $0x2710, v15;
	v9 =	vld.idx.msk [tilespmem:v9+s2+$0x0], $0xffff  }
0x61: {  	s1 =	sadd.s32 $0x4000, s1;
	v29 =	vadd.s32 $0x4E20, v15;
	v14 =	vld.idx.msk [tilespmem:v14+s2+$0x0], $0xffff  }
0x62: {  	_ =	sdelay $0x3  }
0x63: {  	v2 =	vadd.s32 $0x2710, v17;
	v27 =	vld.idx.msk [tilespmem:v27+s2+$0x0], $0xffff  }
0x64: {  	v31 =	vadd.s32 $0x4E20, v17;
	v26 =	vld.idx.msk [tilespmem:v26+s2+$0x0], $0xffff  }
0x65: {  	v32 =	vadd.s32 $0x2710, v22;
	v30 =	vld.idx.msk [tilespmem:v30+s2+$0x0], $0xffff  }
0x66: {  	v33 =	vadd.s32 $0x4E20, v22;
	v28 =	vld.idx.msk [tilespmem:v28+s2+$0x0], $0xffff  }
0x67: {  	v34 =	vadd.s32 $0x2710, v23;
	v29 =	vld.idx.msk [tilespmem:v29+s2+$0x0], $0xffff  }
0x68: {  	v35 =	vadd.s32 $0x4E20, v23;
	v36 =	vld.idx.msk [tilespmem:v2+s2+$0x0], $0xffff  }
0x69: {  	v22 =	vadd.s32 $0x7530, v22;
	v2 =	vadd.s32 $0x7530, v23;
	v23 =	vld.idx.msk [tilespmem:v31+s2+$0x0], $0xffff  }
0x6a: {  	v31 =	vld.idx.msk [tilespmem:v32+s2+$0x0], $0xffff  }
0x6b: {  	v17 =	vadd.s32 $0x7530, v17;
	v60 =	vld.idx.msk [tilespmem:v33+s2+$0x0], $0xffff  }
0x6c: {  	v15 =	vadd.s32 $0x7530, v15;
	v61 =	vld.idx.msk [tilespmem:v34+s2+$0x0], $0xffff  }
0x6d: {  	v11 =	vadd.s32 $0x7530, v11;
	v62 =	vld.idx.msk [tilespmem:v35+s2+$0x0], $0xffff  }
0x6e: {  	v5 =	vadd.s32 $0x7530, v5;
	v37 =	vld.idx.msk [tilespmem:v22+s2+$0x0], $0xffff  }
0x6f: {  	v63 =	vld.idx.msk [tilespmem:v2+s2+$0x0], $0xffff;
	v2 =	vadd.s32 $0x7530, v7  }
0x70: {  	v38 =	vld.idx.msk [tilespmem:v17+s2+$0x0], $0xffff;
	v7 =	vadd.s32 $0x7530, v1  }
0x71: {  	v39 =	vld.idx.msk [tilespmem:v15+s2+$0x0], $0xffff;
	v1 =	vmov s0  }
0x72: {  	v40 =	vld.idx.msk [tilespmem:v11+s2+$0x0], $0xffff  }
0x73: {  	v42 =	vld.idx.msk [tilespmem:v5+s2+$0x0], $0xffff  }
0x74: {  	v41 =	vld.idx.msk [tilespmem:v2+s2+$0x0], $0xffff  }
0x75: {  	s1 =	simm.s32 $0x0;
	v43 =	vld.idx.msk [tilespmem:v7+s2+$0x0], $0xffff  }
0x76: {  	v5 =	vmax.f32 v13, v25;
	v2 =	vld.idx.msk [tilespmem:v1+s1+$0x180 ss:$0x1], $0xffff  }
0x77: {  	v7 =	vmax.f32 v5, v24;
	v5 =	vld.idx.msk [tilespmem:v1+s1+$0x100 ss:$0x1], $0xffff  }
0x78: {  	v17 =	vld.idx.msk [tilespmem:v1+s1+$0xFFFFFF00 ss:$0x1], $0xffff  }
0x79: {  	v22 =	vld.idx.msk [tilespmem:v1+s1+$0xFFFFFE80 ss:$0x1], $0xffff;
	v11 =	vmax.f32 v7, v21  }
0x7a: {  	v7 =	vld.idx.msk [tilespmem:v1+s1+$0x80 ss:$0x1], $0xffff;
	v13 =	vmax.f32 v11, v16  }
0x7b: {  	v11 =	vld.idx.msk [tilespmem:v1+s1+$0x0 ss:$0x1], $0xffff;
	v12 =	vmax.f32 v13, v12  }
0x7c: {  	v24 =	vld.idx.msk [tilespmem:v1+s1+$0xFFFFFE00 ss:$0x1], $0xffff;
	v10 =	vmax.f32 v12, v10  }
0x7d: {  	v13 =	vld.idx.msk [tilespmem:v1+s1+$0xFFFFFF80 ss:$0x1], $0xffff;
	v6 =	vmax.f32 v10, v6  }
0x7e: {  	v12 =	vmax.f32 v20, v63;
	v10 =	vmax.f32 v19, v62;
	v16 =	vmax.f32 v6, v4;
	v6 =	vld.idx.msk [tilespmem:v2+s2+$0x0], $0xffff  }
0x7f: {  	v12 =	vmax.f32 v12, v37;
	v4 =	vmax.f32 v18, v61;
	v15 =	vmax.f32 v10, v60;
	v10 =	vld.idx.msk [tilespmem:v5+s2+$0x0], $0xffff  }
0x80: {  	v18 =	vmax.f32 v12, v38;
	v4 =	vmax.f32 v4, v31;
	v15 =	vmax.f32 v15, v23;
	v23 =	vld.idx.msk [tilespmem:v17+s2+$0x0], $0xffff  }
0x81: {  	v20 =	vadd.s32 $0x2710, v2;
	v18 =	vmax.f32 v18, v39;
	v4 =	vmax.f32 v4, v36;
	v25 =	vld.idx.msk [tilespmem:v22+s2+$0x0], $0xffff  }
0x82: {  	s7 =	sadd.s32 s14, s28;
	v19 =	vmax.f32 v15, v29;
	v12 =	vld.idx.msk [tilespmem:v7+s2+$0x0], $0xffff;
	v4 =	vmax.f32 v4, v28;
	v28 =	vadd.s32 $0x4E20, v2  }
0x83: {  	s1 =	sshll.u32 s7, $0x2;
	v19 =	vmax.f32 v19, v30;
	v30 =	vadd.s32 $0x2710, v5;
	v15 =	vld.idx.msk [tilespmem:v11+s2+$0x0], $0xffff;
	v4 =	vmax.f32 v4, v26  }
0x84: {  	s0 =	sand.u32 $0x70, s7;
	s1 =	sand.u32 $0x1FE00, s1;
	v31 =	vadd.s32 $0x2710, v7;
	v18 =	vmax.f32 v18, v40;
	v26 =	vld.idx.msk [tilespmem:v24+s2+$0x0], $0xffff;
	v4 =	vmax.f32 v4, v14  }
0x85: {  	s0 =	sor.u32 s0, s1;
	v21 =	vld.idx.msk [tilespmem:v13+s2+$0x0], $0xffff;
	v14 =	vmax.f32 v19, v27;
	v19 =	vadd.s32 $0x4E20, v5;
	v4 =	vmax.f32 v4, v8  }
0x86: {  	s1 =	sadd.s32 $0x11C80, s0;
	v29 =	vadd.s32 $0x4E20, v7;
	v8 =	vmax.f32 v14, v9;
	v0 =	vmax.f32 v4, v0;
	v4 =	vld.idx.msk [tilespmem:v20+s2+$0x0], $0xffff  }
0x87: {  	v18 =	vmax.f32 v18, v41;
	v14 =	vmax.f32 v8, v3;
	v3 =	vld.idx.msk [tilespmem:v28+s2+$0x0], $0xffff;
	[tilespmem:s1+$0x80] =	vst v0;
	v0 =	vadd.s32 $0x2710, v11  }
0x88: {  	[tilespmem:s0+$0x11C80] =	vst v16;
	v16 =	vimm.f32 $-Inf;
	v9 =	vmax.f32 v18, v42;
	v8 =	vld.idx.msk [tilespmem:v30+s2+$0x0], $0xffff;
	v30 =	vadd.s32 $0x4E20, v11  }
0x89: {  	v27 =	vadd.s32 $0x2710, v13;
	v18 =	vmax.f32 v9, v43;
	v20 =	vimm.f32 $-Inf;
	[tilespmem:s1+$0x100] =	vst v14;
	v14 =	vld.idx.msk [tilespmem:v31+s2+$0x0], $0xffff  }
0x8a: {  	s0 =	sadd.s32 $0x10, s28;
	v28 =	vadd.s32 $0x4E20, v13;
	[tilespmem:s1+$0x180] =	vst v18;
	s1 =	simm.s32 $0x4000;
	v18 =	vimm.f32 $-Inf;
	v9 =	vld.idx.msk [tilespmem:v19+s2+$0x0], $0xffff;
	v19 =	vimm.f32 $-Inf  }
.LBB2_7:
0x8b: {  	p1 =	sne.s32 s1, $0xC000;
	v31 =	vadd.s32 $0x2710, v17;
	v29 =	vld.idx.msk [tilespmem:v29+s2+$0x0], $0xffff  }
0x8c: {  	v32 =	vadd.s32 $0x4E20, v17;
	v0 =	vld.idx.msk [tilespmem:v0+s2+$0x0], $0xffff  }
0x8d: {  	v33 =	vadd.s32 $0x2710, v22;
	v30 =	vld.idx.msk [tilespmem:v30+s2+$0x0], $0xffff  }
0x8e: {  	v34 =	vadd.s32 $0x4E20, v22;
	v27 =	vld.idx.msk [tilespmem:v27+s2+$0x0], $0xffff  }
0x8f: {  	v35 =	vadd.s32 $0x2710, v24;
	v28 =	vld.idx.msk [tilespmem:v28+s2+$0x0], $0xffff  }
0x90: {  	v36 =	vadd.s32 $0x4E20, v24;
	v31 =	vld.idx.msk [tilespmem:v31+s2+$0x0], $0xffff  }
0x91: {  	v24 =	vadd.s32 $0x7530, v24;
	v32 =	vld.idx.msk [tilespmem:v32+s2+$0x0], $0xffff  }
0x92: {  	v22 =	vadd.s32 $0x7530, v22;
	v33 =	vld.idx.msk [tilespmem:v33+s2+$0x0], $0xffff  }
0x93: {  	v17 =	vadd.s32 $0x7530, v17;
	v34 =	vld.idx.msk [tilespmem:v34+s2+$0x0], $0xffff  }
0x94: {  	v16 =	vmax.f32 v16, v26;
	v13 =	vadd.s32 $0x7530, v13;
	v26 =	vld.idx.msk [tilespmem:v35+s2+$0x0], $0xffff  }
0x95: {  	v11 =	vadd.s32 $0x7530, v11;
	v16 =	vmax.f32 v16, v25;
	v35 =	vld.idx.msk [tilespmem:v36+s2+$0x0], $0xffff  }
0x96: {  	v7 =	vadd.s32 $0x7530, v7;
	v16 =	vmax.f32 v16, v23;
	v24 =	vld.idx.msk [tilespmem:v24+s2+$0x0], $0xffff  }
0x97: {  	v5 =	vadd.s32 $0x7530, v5;
	v16 =	vmax.f32 v16, v21;
	v22 =	vld.idx.msk [tilespmem:v22+s2+$0x0], $0xffff  }
0x98: {  	v2 =	vadd.s32 $0x7530, v2;
	v15 =	vmax.f32 v16, v15;
	v17 =	vld.idx.msk [tilespmem:v17+s2+$0x0], $0xffff  }
0x99: {  	v12 =	vmax.f32 v15, v12;
	v13 =	vld.idx.msk [tilespmem:v13+s2+$0x0], $0xffff  }
0x9a: {  	v10 =	vmax.f32 v12, v10;
	v11 =	vld.idx.msk [tilespmem:v11+s2+$0x0], $0xffff  }
0x9b: {  	v16 =	vmax.f32 v10, v6;
	v12 =	vld.idx.msk [tilespmem:v7+s2+$0x0], $0xffff  }
0x9c: {  	v6 =	vmax.f32 v18, v26;
	v7 =	vmax.f32 v19, v35;
	v10 =	vmax.f32 v20, v24;
	v15 =	vld.idx.msk [tilespmem:v5+s2+$0x0], $0xffff  }
0x9d: {  	s7 =	sshra.s32 s1, $0x2;
	v5 =	vmax.f32 v6, v33;
	v6 =	vmax.f32 v7, v34;
	v7 =	vmax.f32 v10, v22;
	v10 =	vld.idx.msk [tilespmem:v2+s2+$0x0], $0xffff  }
0x9e: {  	v18 =	vmax.f32 v5, v31;
	v6 =	vmax.f32 v6, v32;
	v7 =	vmax.f32 v7, v17;
	v2 =	vld.idx.msk [tilespmem:v1+s7+$0x180 ss:$0x1], $0xffff  }
0x9f: {  	v17 =	vmax.f32 v18, v27;
	v6 =	vmax.f32 v6, v28;
	v13 =	vmax.f32 v7, v13;
	v5 =	vld.idx.msk [tilespmem:v1+s7+$0x100 ss:$0x1], $0xffff  }
0xa0: {  	v0 =	vmax.f32 v17, v0;
	v6 =	vmax.f32 v6, v30;
	v13 =	vmax.f32 v13, v11;
	v7 =	vld.idx.msk [tilespmem:v1+s7+$0x80 ss:$0x1], $0xffff  }
0xa1: {  	v0 =	vmax.f32 v0, v14;
	v6 =	vmax.f32 v6, v29;
	v12 =	vmax.f32 v13, v12;
	v11 =	vld.idx.msk [tilespmem:v1+s7+$0x0 ss:$0x1], $0xffff  }
0xa2: {  	v0 =	vmax.f32 v0, v8;
	v6 =	vmax.f32 v6, v9;
	v8 =	vmax.f32 v12, v15;
	v13 =	vld.idx.msk [tilespmem:v1+s7+$0xFFFFFF80 ss:$0x1], $0xffff  }
0xa3: {  	v18 =	vmax.f32 v0, v4;
	v19 =	vmax.f32 v6, v3;
	v20 =	vmax.f32 v8, v10;
	v17 =	vld.idx.msk [tilespmem:v1+s7+$0xFFFFFF00 ss:$0x1], $0xffff  }
0xa4: {  	v22 =	vld.idx.msk [tilespmem:v1+s7+$0xFFFFFE80 ss:$0x1], $0xffff  }
0xa5: {  	v24 =	vld.idx.msk [tilespmem:v1+s7+$0xFFFFFE00 ss:$0x1], $0xffff  }
0xa6: {  	v6 =	vld.idx.msk [tilespmem:v2+s2+$0x0], $0xffff  }
0xa7: {  	v10 =	vld.idx.msk [tilespmem:v5+s2+$0x0], $0xffff  }
0xa8: {  	v12 =	vld.idx.msk [tilespmem:v7+s2+$0x0], $0xffff  }
0xa9: {  	v0 =	vadd.s32 $0x2710, v2;
	v15 =	vld.idx.msk [tilespmem:v11+s2+$0x0], $0xffff  }
0xaa: {  	v3 =	vadd.s32 $0x4E20, v2;
	v21 =	vld.idx.msk [tilespmem:v13+s2+$0x0], $0xffff  }
0xab: {  	v8 =	vadd.s32 $0x2710, v5;
	v23 =	vld.idx.msk [tilespmem:v17+s2+$0x0], $0xffff  }
0xac: {  	v9 =	vadd.s32 $0x4E20, v5;
	v25 =	vld.idx.msk [tilespmem:v22+s2+$0x0], $0xffff  }
0xad: {  	v14 =	vadd.s32 $0x2710, v7;
	v26 =	vld.idx.msk [tilespmem:v24+s2+$0x0], $0xffff  }
.Ltmp1:
0xae: {  	v29 =	vadd.s32 $0x4E20, v7;
	v4 =	vld.idx.msk [tilespmem:v0+s2+$0x0], $0xffff;
	(pc) =	sbr.rel @p1 .LBB2_7-.Ltmp1, $4  }
0xaf: {  	v0 =	vadd.s32 $0x2710, v11;
	v3 =	vld.idx.msk [tilespmem:v3+s2+$0x0], $0xffff  }
0xb0: {  	v30 =	vadd.s32 $0x4E20, v11;
	v8 =	vld.idx.msk [tilespmem:v8+s2+$0x0], $0xffff  }
0xb1: {  	v27 =	vadd.s32 $0x2710, v13;
	v9 =	vld.idx.msk [tilespmem:v9+s2+$0x0], $0xffff  }
0xb2: {  	s1 =	sadd.s32 $0x4000, s1;
	v28 =	vadd.s32 $0x4E20, v13;
	v14 =	vld.idx.msk [tilespmem:v14+s2+$0x0], $0xffff  }
0xb3: {  	_ =	sdelay $0x3  }
0xb4: {  	v1 =	vadd.s32 $0x2710, v17;
	v29 =	vld.idx.msk [tilespmem:v29+s2+$0x0], $0xffff  }
0xb5: {  	v31 =	vadd.s32 $0x4E20, v17;
	v32 =	vld.idx.msk [tilespmem:v0+s2+$0x0], $0xffff  }
0xb6: {  	v0 =	vadd.s32 $0x2710, v22;
	v30 =	vld.idx.msk [tilespmem:v30+s2+$0x0], $0xffff  }
0xb7: {  	v33 =	vadd.s32 $0x4E20, v22;
	v27 =	vld.idx.msk [tilespmem:v27+s2+$0x0], $0xffff  }
0xb8: {  	v34 =	vadd.s32 $0x2710, v24;
	v28 =	vld.idx.msk [tilespmem:v28+s2+$0x0], $0xffff  }
0xb9: {  	v35 =	vadd.s32 $0x4E20, v24;
	v36 =	vld.idx.msk [tilespmem:v1+s2+$0x0], $0xffff  }
0xba: {  	v17 =	vadd.s32 $0x7530, v17;
	v1 =	vadd.s32 $0x7530, v24;
	v24 =	vld.idx.msk [tilespmem:v31+s2+$0x0], $0xffff  }
0xbb: {  	v13 =	vadd.s32 $0x7530, v13;
	v31 =	vld.idx.msk [tilespmem:v0+s2+$0x0], $0xffff  }
0xbc: {  	v0 =	vadd.s32 $0x7530, v22;
	v22 =	vld.idx.msk [tilespmem:v33+s2+$0x0], $0xffff  }
0xbd: {  	v61 =	vld.idx.msk [tilespmem:v34+s2+$0x0], $0xffff  }
0xbe: {  	v11 =	vadd.s32 $0x7530, v11;
	v62 =	vld.idx.msk [tilespmem:v35+s2+$0x0], $0xffff  }
0xbf: {  	v5 =	vadd.s32 $0x7530, v5;
	v17 =	vld.idx.msk [tilespmem:v17+s2+$0x0], $0xffff  }
0xc0: {  	v2 =	vadd.s32 $0x7530, v2;
	v38 =	vld.idx.msk [tilespmem:v13+s2+$0x0], $0xffff  }
0xc1: {  	v63 =	vld.idx.msk [tilespmem:v1+s2+$0x0], $0xffff;
	v1 =	vadd.s32 $0x7530, v7  }
0xc2: {  	v37 =	vld.idx.msk [tilespmem:v0+s2+$0x0], $0xffff;
	v0 =	vmov s31  }
0xc3: {  	v39 =	vld.idx.msk [tilespmem:v11+s2+$0x0], $0xffff  }
0xc4: {  	v41 =	vld.idx.msk [tilespmem:v5+s2+$0x0], $0xffff  }
0xc5: {  	v42 =	vld.idx.msk [tilespmem:v2+s2+$0x0], $0xffff  }
0xc6: {  	s1 =	simm.s32 $0x0;
	v40 =	vld.idx.msk [tilespmem:v1+s2+$0x0], $0xffff  }
0xc7: {  	v1 =	vld.idx.msk [tilespmem:v0+s1+$0x180 ss:$0x1], $0xffff  }
0xc8: {  	v2 =	vmax.f32 v16, v26;
	v5 =	vld.idx.msk [tilespmem:v0+s1+$0x100 ss:$0x1], $0xffff  }
0xc9: {  	v2 =	vmax.f32 v2, v25;
	v7 =	vld.idx.msk [tilespmem:v0+s1+$0x80 ss:$0x1], $0xffff  }
0xca: {  	v2 =	vmax.f32 v2, v23;
	v11 =	vld.idx.msk [tilespmem:v0+s1+$0x0 ss:$0x1], $0xffff  }
0xcb: {  	v2 =	vmax.f32 v2, v21;
	v13 =	vld.idx.msk [tilespmem:v0+s1+$0xFFFFFF80 ss:$0x1], $0xffff  }
0xcc: {  	v2 =	vmax.f32 v2, v15;
	v16 =	vld.idx.msk [tilespmem:v0+s1+$0xFFFFFF00 ss:$0x1], $0xffff  }
0xcd: {  	v2 =	vmax.f32 v2, v12;
	v21 =	vld.idx.msk [tilespmem:v0+s1+$0xFFFFFE80 ss:$0x1], $0xffff  }
0xce: {  	v2 =	vmax.f32 v2, v10;
	v10 =	vmax.f32 v19, v62;
	v23 =	vld.idx.msk [tilespmem:v0+s1+$0xFFFFFE00 ss:$0x1], $0xffff  }
0xcf: {  	v26 =	vmax.f32 v2, v6;
	v2 =	vmax.f32 v18, v61;
	v12 =	vmax.f32 v20, v63;
	v6 =	vld.idx.msk [tilespmem:v1+s2+$0x0], $0xffff  }
0xd0: {  	v15 =	vmax.f32 v10, v22;
	v2 =	vmax.f32 v2, v31;
	v12 =	vmax.f32 v12, v37;
	v10 =	vld.idx.msk [tilespmem:v5+s2+$0x0], $0xffff  }
0xd1: {  	v15 =	vmax.f32 v15, v24;
	v2 =	vmax.f32 v2, v36;
	v17 =	vmax.f32 v12, v17;
	v12 =	vld.idx.msk [tilespmem:v7+s2+$0x0], $0xffff  }
0xd2: {  	v18 =	vmax.f32 v15, v28;
	v2 =	vmax.f32 v2, v27;
	v19 =	vadd.s32 $0x2710, v1;
	v15 =	vld.idx.msk [tilespmem:v11+s2+$0x0], $0xffff  }
0xd3: {  	v18 =	vmax.f32 v18, v30;
	v2 =	vmax.f32 v2, v32;
	v27 =	vadd.s32 $0x4E20, v1;
	v20 =	vld.idx.msk [tilespmem:v13+s2+$0x0], $0xffff  }
0xd4: {  	s0 =	sadd.s32 s14, s0;
	v2 =	vmax.f32 v2, v14;
	v14 =	vmax.f32 v18, v29;
	v28 =	vadd.s32 $0x2710, v5;
	v22 =	vld.idx.msk [tilespmem:v16+s2+$0x0], $0xffff  }
0xd5: {  	s31 =	sshll.u32 s0, $0x2;
	v17 =	vmax.f32 v17, v38;
	v2 =	vmax.f32 v2, v8;
	v18 =	vadd.s32 $0x4E20, v5;
	v24 =	vld.idx.msk [tilespmem:v21+s2+$0x0], $0xffff  }
0xd6: {  	s0 =	sand.u32 $0x70, s0;
	s1 =	sand.u32 $0x1FE00, s31;
	v8 =	vmax.f32 v14, v9;
	v17 =	vmax.f32 v17, v39;
	v31 =	vadd.s32 $0x2710, v7;
	v25 =	vld.idx.msk [tilespmem:v23+s2+$0x0], $0xffff  }
0xd7: {  	s0 =	sor.u32 s0, s1;
	v4 =	vmax.f32 v2, v4;
	v17 =	vmax.f32 v17, v40;
	v29 =	vadd.s32 $0x4E20, v7;
	v2 =	vld.idx.msk [tilespmem:v19+s2+$0x0], $0xffff  }
0xd8: {  	s1 =	sadd.s32 $0x11C80, s0;
	[tilespmem:s0+$0x11C80] =	vst v26;
	v14 =	vmax.f32 v8, v3;
	v26 =	vadd.s32 $0x2710, v11;
	v9 =	vmax.f32 v17, v41;
	v3 =	vld.idx.msk [tilespmem:v27+s2+$0x0], $0xffff  }
0xd9: {  	[tilespmem:s1+$0x80] =	vst v4;
	v30 =	vadd.s32 $0x4E20, v11;
	v17 =	vmax.f32 v9, v42;
	v8 =	vld.idx.msk [tilespmem:v28+s2+$0x0], $0xffff  }
0xda: {  	v4 =	vimm.f32 $-Inf;
	[tilespmem:s1+$0x180] =	vst v17;
	v17 =	vimm.f32 $-Inf;
	v27 =	vadd.s32 $0x2710, v13;
	v9 =	vld.idx.msk [tilespmem:v18+s2+$0x0], $0xffff  }
0xdb: {  	s0 =	sadd.s32 $0x20, s28;
	[tilespmem:s1+$0x100] =	vst v14;
	s1 =	simm.s32 $0x4000;
	v28 =	vadd.s32 $0x4E20, v13;
	v14 =	vld.idx.msk [tilespmem:v31+s2+$0x0], $0xffff;
	v18 =	vimm.f32 $-Inf;
	v19 =	vimm.f32 $-Inf  }
.LBB2_9:
0xdc: {  	p1 =	sne.s32 s1, $0xC000;
	v31 =	vadd.s32 $0x2710, v16;
	v29 =	vld.idx.msk [tilespmem:v29+s2+$0x0], $0xffff  }
0xdd: {  	v32 =	vadd.s32 $0x4E20, v16;
	v26 =	vld.idx.msk [tilespmem:v26+s2+$0x0], $0xffff  }
0xde: {  	v33 =	vadd.s32 $0x2710, v21;
	v30 =	vld.idx.msk [tilespmem:v30+s2+$0x0], $0xffff  }
0xdf: {  	v34 =	vadd.s32 $0x4E20, v21;
	v27 =	vld.idx.msk [tilespmem:v27+s2+$0x0], $0xffff  }
0xe0: {  	v35 =	vadd.s32 $0x2710, v23;
	v28 =	vld.idx.msk [tilespmem:v28+s2+$0x0], $0xffff  }
0xe1: {  	v36 =	vadd.s32 $0x4E20, v23;
	v31 =	vld.idx.msk [tilespmem:v31+s2+$0x0], $0xffff  }
0xe2: {  	v23 =	vadd.s32 $0x7530, v23;
	v32 =	vld.idx.msk [tilespmem:v32+s2+$0x0], $0xffff  }
0xe3: {  	v21 =	vadd.s32 $0x7530, v21;
	v33 =	vld.idx.msk [tilespmem:v33+s2+$0x0], $0xffff  }
0xe4: {  	v16 =	vadd.s32 $0x7530, v16;
	v34 =	vld.idx.msk [tilespmem:v34+s2+$0x0], $0xffff  }
0xe5: {  	v4 =	vmax.f32 v4, v25;
	v13 =	vadd.s32 $0x7530, v13;
	v25 =	vld.idx.msk [tilespmem:v35+s2+$0x0], $0xffff  }
0xe6: {  	v11 =	vadd.s32 $0x7530, v11;
	v4 =	vmax.f32 v4, v24;
	v35 =	vld.idx.msk [tilespmem:v36+s2+$0x0], $0xffff  }
0xe7: {  	v7 =	vadd.s32 $0x7530, v7;
	v4 =	vmax.f32 v4, v22;
	v23 =	vld.idx.msk [tilespmem:v23+s2+$0x0], $0xffff  }
0xe8: {  	v5 =	vadd.s32 $0x7530, v5;
	v4 =	vmax.f32 v4, v20;
	v21 =	vld.idx.msk [tilespmem:v21+s2+$0x0], $0xffff  }
0xe9: {  	v1 =	vadd.s32 $0x7530, v1;
	v4 =	vmax.f32 v4, v15;
	v16 =	vld.idx.msk [tilespmem:v16+s2+$0x0], $0xffff  }
0xea: {  	v4 =	vmax.f32 v4, v12;
	v13 =	vld.idx.msk [tilespmem:v13+s2+$0x0], $0xffff  }
0xeb: {  	v4 =	vmax.f32 v4, v10;
	v11 =	vld.idx.msk [tilespmem:v11+s2+$0x0], $0xffff  }
0xec: {  	v4 =	vmax.f32 v4, v6;
	v10 =	vld.idx.msk [tilespmem:v7+s2+$0x0], $0xffff  }
0xed: {  	v6 =	vmax.f32 v17, v25;
	v7 =	vmax.f32 v18, v35;
	v12 =	vmax.f32 v19, v23;
	v15 =	vld.idx.msk [tilespmem:v5+s2+$0x0], $0xffff  }
0xee: {  	s7 =	sshra.s32 s1, $0x2;
	v5 =	vmax.f32 v6, v33;
	v6 =	vmax.f32 v7, v34;
	v7 =	vmax.f32 v12, v21;
	v12 =	vld.idx.msk [tilespmem:v1+s2+$0x0], $0xffff  }
0xef: {  	v17 =	vmax.f32 v5, v31;
	v6 =	vmax.f32 v6, v32;
	v7 =	vmax.f32 v7, v16;
	v1 =	vld.idx.msk [tilespmem:v0+s7+$0x180 ss:$0x1], $0xffff  }
0xf0: {  	v16 =	vmax.f32 v17, v27;
	v6 =	vmax.f32 v6, v28;
	v13 =	vmax.f32 v7, v13;
	v5 =	vld.idx.msk [tilespmem:v0+s7+$0x100 ss:$0x1], $0xffff  }
0xf1: {  	v16 =	vmax.f32 v16, v26;
	v6 =	vmax.f32 v6, v30;
	v13 =	vmax.f32 v13, v11;
	v7 =	vld.idx.msk [tilespmem:v0+s7+$0x80 ss:$0x1], $0xffff  }
0xf2: {  	v14 =	vmax.f32 v16, v14;
	v6 =	vmax.f32 v6, v29;
	v10 =	vmax.f32 v13, v10;
	v11 =	vld.idx.msk [tilespmem:v0+s7+$0x0 ss:$0x1], $0xffff  }
0xf3: {  	v8 =	vmax.f32 v14, v8;
	v6 =	vmax.f32 v6, v9;
	v9 =	vmax.f32 v10, v15;
	v13 =	vld.idx.msk [tilespmem:v0+s7+$0xFFFFFF80 ss:$0x1], $0xffff  }
0xf4: {  	v17 =	vmax.f32 v8, v2;
	v18 =	vmax.f32 v6, v3;
	v19 =	vmax.f32 v9, v12;
	v16 =	vld.idx.msk [tilespmem:v0+s7+$0xFFFFFF00 ss:$0x1], $0xffff  }
0xf5: {  	v21 =	vld.idx.msk [tilespmem:v0+s7+$0xFFFFFE80 ss:$0x1], $0xffff  }
0xf6: {  	v23 =	vld.idx.msk [tilespmem:v0+s7+$0xFFFFFE00 ss:$0x1], $0xffff  }
0xf7: {  	v6 =	vld.idx.msk [tilespmem:v1+s2+$0x0], $0xffff  }
0xf8: {  	v10 =	vld.idx.msk [tilespmem:v5+s2+$0x0], $0xffff  }
0xf9: {  	v12 =	vld.idx.msk [tilespmem:v7+s2+$0x0], $0xffff  }
0xfa: {  	v2 =	vadd.s32 $0x2710, v1;
	v15 =	vld.idx.msk [tilespmem:v11+s2+$0x0], $0xffff  }
0xfb: {  	v3 =	vadd.s32 $0x4E20, v1;
	v20 =	vld.idx.msk [tilespmem:v13+s2+$0x0], $0xffff  }
0xfc: {  	v8 =	vadd.s32 $0x2710, v5;
	v22 =	vld.idx.msk [tilespmem:v16+s2+$0x0], $0xffff  }
0xfd: {  	v9 =	vadd.s32 $0x4E20, v5;
	v24 =	vld.idx.msk [tilespmem:v21+s2+$0x0], $0xffff  }
0xfe: {  	v14 =	vadd.s32 $0x2710, v7;
	v25 =	vld.idx.msk [tilespmem:v23+s2+$0x0], $0xffff  }
.Ltmp2:
0xff: {  	v29 =	vadd.s32 $0x4E20, v7;
	v2 =	vld.idx.msk [tilespmem:v2+s2+$0x0], $0xffff;
	(pc) =	sbr.rel @p1 .LBB2_9-.Ltmp2, $4  }
0x100: {  	v26 =	vadd.s32 $0x2710, v11;
	v3 =	vld.idx.msk [tilespmem:v3+s2+$0x0], $0xffff  }
0x101: {  	v30 =	vadd.s32 $0x4E20, v11;
	v8 =	vld.idx.msk [tilespmem:v8+s2+$0x0], $0xffff  }
0x102: {  	v27 =	vadd.s32 $0x2710, v13;
	v9 =	vld.idx.msk [tilespmem:v9+s2+$0x0], $0xffff  }
0x103: {  	s1 =	sadd.s32 $0x4000, s1;
	v28 =	vadd.s32 $0x4E20, v13;
	v14 =	vld.idx.msk [tilespmem:v14+s2+$0x0], $0xffff  }
0x104: {  	_ =	sdelay $0x3  }
0x105: {  	v0 =	vadd.s32 $0x2710, v16;
	v29 =	vld.idx.msk [tilespmem:v29+s2+$0x0], $0xffff  }
0x106: {  	v31 =	vadd.s32 $0x4E20, v16;
	v26 =	vld.idx.msk [tilespmem:v26+s2+$0x0], $0xffff  }
0x107: {  	v32 =	vadd.s32 $0x2710, v21;
	v30 =	vld.idx.msk [tilespmem:v30+s2+$0x0], $0xffff  }
0x108: {  	v33 =	vadd.s32 $0x4E20, v21;
	v27 =	vld.idx.msk [tilespmem:v27+s2+$0x0], $0xffff  }
0x109: {  	v34 =	vadd.s32 $0x2710, v23;
	v28 =	vld.idx.msk [tilespmem:v28+s2+$0x0], $0xffff  }
0x10a: {  	v35 =	vadd.s32 $0x4E20, v23;
	v36 =	vld.idx.msk [tilespmem:v0+s2+$0x0], $0xffff  }
0x10b: {  	v21 =	vadd.s32 $0x7530, v21;
	v31 =	vld.idx.msk [tilespmem:v31+s2+$0x0], $0xffff  }
0x10c: {  	v16 =	vadd.s32 $0x7530, v16;
	v32 =	vld.idx.msk [tilespmem:v32+s2+$0x0], $0xffff  }
0x10d: {  	v13 =	vadd.s32 $0x7530, v13;
	v33 =	vld.idx.msk [tilespmem:v33+s2+$0x0], $0xffff  }
0x10e: {  	v0 =	vadd.s32 $0x7530, v23;
	v34 =	vld.idx.msk [tilespmem:v34+s2+$0x0], $0xffff  }
0x10f: {  	v11 =	vadd.s32 $0x7530, v11;
	v35 =	vld.idx.msk [tilespmem:v35+s2+$0x0], $0xffff  }
0x110: {  	v7 =	vadd.s32 $0x7530, v7;
	v38 =	vld.idx.msk [tilespmem:v21+s2+$0x0], $0xffff  }
0x111: {  	v5 =	vadd.s32 $0x7530, v5;
	v39 =	vld.idx.msk [tilespmem:v16+s2+$0x0], $0xffff  }
0x112: {  	v1 =	vadd.s32 $0x7530, v1;
	v40 =	vld.idx.msk [tilespmem:v13+s2+$0x0], $0xffff  }
0x113: {  	v37 =	vld.idx.msk [tilespmem:v0+s2+$0x0], $0xffff;
	v0 =	vmov s30  }
0x114: {  	v41 =	vld.idx.msk [tilespmem:v11+s2+$0x0], $0xffff  }
0x115: {  	v42 =	vld.idx.msk [tilespmem:v7+s2+$0x0], $0xffff  }
0x116: {  	v43 =	vld.idx.msk [tilespmem:v5+s2+$0x0], $0xffff  }
0x117: {  	s1 =	simm.s32 $0x0;
	v44 =	vld.idx.msk [tilespmem:v1+s2+$0x0], $0xffff  }
0x118: {  	v4 =	vmax.f32 v4, v25;
	v1 =	vld.idx.msk [tilespmem:v0+s1+$0x180 ss:$0x1], $0xffff  }
0x119: {  	v5 =	vmax.f32 v4, v24;
	v4 =	vld.idx.msk [tilespmem:v0+s1+$0x100 ss:$0x1], $0xffff  }
0x11a: {  	v7 =	vld.idx.msk [tilespmem:v0+s1+$0x80 ss:$0x1], $0xffff  }
0x11b: {  	v5 =	vmax.f32 v5, v22;
	v11 =	vld.idx.msk [tilespmem:v0+s1+$0x0 ss:$0x1], $0xffff  }
0x11c: {  	v5 =	vmax.f32 v5, v20;
	v13 =	vld.idx.msk [tilespmem:v0+s1+$0xFFFFFF80 ss:$0x1], $0xffff  }
0x11d: {  	v5 =	vmax.f32 v5, v15;
	v16 =	vld.idx.msk [tilespmem:v0+s1+$0xFFFFFF00 ss:$0x1], $0xffff  }
0x11e: {  	v5 =	vmax.f32 v5, v12;
	v21 =	vld.idx.msk [tilespmem:v0+s1+$0xFFFFFE80 ss:$0x1], $0xffff  }
0x11f: {  	v5 =	vmax.f32 v5, v10;
	v23 =	vld.idx.msk [tilespmem:v0+s1+$0xFFFFFE00 ss:$0x1], $0xffff  }
0x120: {  	v10 =	vmax.f32 v17, v34;
	v12 =	vmax.f32 v18, v35;
	v6 =	vmax.f32 v5, v6;
	v5 =	vld.idx.msk [tilespmem:v1+s2+$0x0], $0xffff  }
0x121: {  	v17 =	vmax.f32 v10, v32;
	v12 =	vmax.f32 v12, v33;
	v15 =	vmax.f32 v19, v37;
	v10 =	vld.idx.msk [tilespmem:v4+s2+$0x0], $0xffff  }
0x122: {  	v17 =	vmax.f32 v17, v36;
	v18 =	vmax.f32 v12, v31;
	v15 =	vmax.f32 v15, v38;
	v12 =	vld.idx.msk [tilespmem:v7+s2+$0x0], $0xffff  }
0x123: {  	v17 =	vmax.f32 v17, v27;
	v19 =	vmax.f32 v15, v39;
	v27 =	vadd.s32 $0x2710, v1;
	v15 =	vld.idx.msk [tilespmem:v11+s2+$0x0], $0xffff  }
0x124: {  	v18 =	vmax.f32 v18, v28;
	v17 =	vmax.f32 v17, v26;
	v26 =	vadd.s32 $0x4E20, v1;
	v20 =	vld.idx.msk [tilespmem:v13+s2+$0x0], $0xffff  }
0x125: {  	s0 =	sadd.s32 s14, s0;
	v18 =	vmax.f32 v18, v30;
	v14 =	vmax.f32 v17, v14;
	v28 =	vadd.s32 $0x2710, v4;
	v22 =	vld.idx.msk [tilespmem:v16+s2+$0x0], $0xffff  }
0x126: {  	s31 =	sshll.u32 s0, $0x2;
	v17 =	vmax.f32 v18, v29;
	v8 =	vmax.f32 v14, v8;
	v18 =	vadd.s32 $0x4E20, v4;
	v24 =	vld.idx.msk [tilespmem:v21+s2+$0x0], $0xffff  }
0x127: {  	s0 =	sand.u32 $0x70, s0;
	s1 =	sand.u32 $0x1FE00, s31;
	v9 =	vmax.f32 v17, v9;
	v19 =	vmax.f32 v19, v40;
	v14 =	vadd.s32 $0x2710, v7;
	v25 =	vld.idx.msk [tilespmem:v23+s2+$0x0], $0xffff  }
0x128: {  	s0 =	sor.u32 s0, s1;
	v8 =	vmax.f32 v8, v2;
	v19 =	vmax.f32 v19, v41;
	v29 =	vadd.s32 $0x4E20, v7;
	v2 =	vld.idx.msk [tilespmem:v27+s2+$0x0], $0xffff  }
0x129: {  	v9 =	vmax.f32 v9, v3;
	s1 =	sadd.s32 $0x11C80, s0;
	[tilespmem:s0+$0x11C80] =	vst v6;
	v19 =	vmax.f32 v19, v42;
	v3 =	vld.idx.msk [tilespmem:v26+s2+$0x0], $0xffff;
	v26 =	vadd.s32 $0x2710, v11  }
0x12a: {  	v6 =	vimm.f32 $-Inf;
	[tilespmem:s1+$0x80] =	vst v8;
	v30 =	vadd.s32 $0x4E20, v11;
	v17 =	vmax.f32 v19, v43;
	v8 =	vld.idx.msk [tilespmem:v28+s2+$0x0], $0xffff  }
0x12b: {  	[tilespmem:s1+$0x100] =	vst v9;
	v19 =	vimm.f32 $-Inf;
	v17 =	vmax.f32 v17, v44;
	v27 =	vadd.s32 $0x2710, v13;
	v9 =	vld.idx.msk [tilespmem:v18+s2+$0x0], $0xffff  }
0x12c: {  	s0 =	sadd.s32 $0x30, s28;
	[tilespmem:s1+$0x180] =	vst v17;
	s1 =	simm.s32 $0x4000;
	v17 =	vimm.f32 $-Inf;
	v28 =	vadd.s32 $0x4E20, v13;
	v14 =	vld.idx.msk [tilespmem:v14+s2+$0x0], $0xffff;
	v18 =	vimm.f32 $-Inf  }
.LBB2_11:
0x12d: {  	p1 =	sne.s32 s1, $0xC000;
	v31 =	vadd.s32 $0x2710, v16;
	v29 =	vld.idx.msk [tilespmem:v29+s2+$0x0], $0xffff  }
0x12e: {  	v32 =	vadd.s32 $0x4E20, v16;
	v26 =	vld.idx.msk [tilespmem:v26+s2+$0x0], $0xffff  }
0x12f: {  	v33 =	vadd.s32 $0x2710, v21;
	v30 =	vld.idx.msk [tilespmem:v30+s2+$0x0], $0xffff  }
0x130: {  	v34 =	vadd.s32 $0x4E20, v21;
	v27 =	vld.idx.msk [tilespmem:v27+s2+$0x0], $0xffff  }
0x131: {  	v35 =	vadd.s32 $0x2710, v23;
	v28 =	vld.idx.msk [tilespmem:v28+s2+$0x0], $0xffff  }
0x132: {  	v36 =	vadd.s32 $0x4E20, v23;
	v31 =	vld.idx.msk [tilespmem:v31+s2+$0x0], $0xffff  }
0x133: {  	v23 =	vadd.s32 $0x7530, v23;
	v32 =	vld.idx.msk [tilespmem:v32+s2+$0x0], $0xffff  }
0x134: {  	v21 =	vadd.s32 $0x7530, v21;
	v33 =	vld.idx.msk [tilespmem:v33+s2+$0x0], $0xffff  }
0x135: {  	v16 =	vadd.s32 $0x7530, v16;
	v34 =	vld.idx.msk [tilespmem:v34+s2+$0x0], $0xffff  }
0x136: {  	v6 =	vmax.f32 v6, v25;
	v13 =	vadd.s32 $0x7530, v13;
	v25 =	vld.idx.msk [tilespmem:v35+s2+$0x0], $0xffff  }
0x137: {  	v11 =	vadd.s32 $0x7530, v11;
	v6 =	vmax.f32 v6, v24;
	v35 =	vld.idx.msk [tilespmem:v36+s2+$0x0], $0xffff  }
0x138: {  	v7 =	vadd.s32 $0x7530, v7;
	v6 =	vmax.f32 v6, v22;
	v23 =	vld.idx.msk [tilespmem:v23+s2+$0x0], $0xffff  }
0x139: {  	v4 =	vadd.s32 $0x7530, v4;
	v6 =	vmax.f32 v6, v20;
	v21 =	vld.idx.msk [tilespmem:v21+s2+$0x0], $0xffff  }
0x13a: {  	v1 =	vadd.s32 $0x7530, v1;
	v6 =	vmax.f32 v6, v15;
	v16 =	vld.idx.msk [tilespmem:v16+s2+$0x0], $0xffff  }
0x13b: {  	v6 =	vmax.f32 v6, v12;
	v13 =	vld.idx.msk [tilespmem:v13+s2+$0x0], $0xffff  }
0x13c: {  	v6 =	vmax.f32 v6, v10;
	v11 =	vld.idx.msk [tilespmem:v11+s2+$0x0], $0xffff  }
0x13d: {  	v6 =	vmax.f32 v6, v5;
	v10 =	vld.idx.msk [tilespmem:v7+s2+$0x0], $0xffff  }
0x13e: {  	v5 =	vmax.f32 v17, v25;
	v7 =	vmax.f32 v18, v35;
	v12 =	vmax.f32 v19, v23;
	v15 =	vld.idx.msk [tilespmem:v4+s2+$0x0], $0xffff  }
0x13f: {  	s7 =	sshra.s32 s1, $0x2;
	v4 =	vmax.f32 v5, v33;
	v5 =	vmax.f32 v7, v34;
	v7 =	vmax.f32 v12, v21;
	v12 =	vld.idx.msk [tilespmem:v1+s2+$0x0], $0xffff  }
0x140: {  	v17 =	vmax.f32 v4, v31;
	v5 =	vmax.f32 v5, v32;
	v7 =	vmax.f32 v7, v16;
	v1 =	vld.idx.msk [tilespmem:v0+s7+$0x180 ss:$0x1], $0xffff  }
0x141: {  	v16 =	vmax.f32 v17, v27;
	v5 =	vmax.f32 v5, v28;
	v13 =	vmax.f32 v7, v13;
	v4 =	vld.idx.msk [tilespmem:v0+s7+$0x100 ss:$0x1], $0xffff  }
0x142: {  	v16 =	vmax.f32 v16, v26;
	v5 =	vmax.f32 v5, v30;
	v13 =	vmax.f32 v13, v11;
	v7 =	vld.idx.msk [tilespmem:v0+s7+$0x80 ss:$0x1], $0xffff  }
0x143: {  	v14 =	vmax.f32 v16, v14;
	v5 =	vmax.f32 v5, v29;
	v10 =	vmax.f32 v13, v10;
	v11 =	vld.idx.msk [tilespmem:v0+s7+$0x0 ss:$0x1], $0xffff  }
0x144: {  	v8 =	vmax.f32 v14, v8;
	v5 =	vmax.f32 v5, v9;
	v9 =	vmax.f32 v10, v15;
	v13 =	vld.idx.msk [tilespmem:v0+s7+$0xFFFFFF80 ss:$0x1], $0xffff  }
0x145: {  	v17 =	vmax.f32 v8, v2;
	v18 =	vmax.f32 v5, v3;
	v19 =	vmax.f32 v9, v12;
	v16 =	vld.idx.msk [tilespmem:v0+s7+$0xFFFFFF00 ss:$0x1], $0xffff  }
0x146: {  	v21 =	vld.idx.msk [tilespmem:v0+s7+$0xFFFFFE80 ss:$0x1], $0xffff  }
0x147: {  	v23 =	vld.idx.msk [tilespmem:v0+s7+$0xFFFFFE00 ss:$0x1], $0xffff  }
0x148: {  	v5 =	vld.idx.msk [tilespmem:v1+s2+$0x0], $0xffff  }
0x149: {  	v10 =	vld.idx.msk [tilespmem:v4+s2+$0x0], $0xffff  }
0x14a: {  	v12 =	vld.idx.msk [tilespmem:v7+s2+$0x0], $0xffff  }
0x14b: {  	v2 =	vadd.s32 $0x2710, v1;
	v15 =	vld.idx.msk [tilespmem:v11+s2+$0x0], $0xffff  }
0x14c: {  	v3 =	vadd.s32 $0x4E20, v1;
	v20 =	vld.idx.msk [tilespmem:v13+s2+$0x0], $0xffff  }
0x14d: {  	v8 =	vadd.s32 $0x2710, v4;
	v22 =	vld.idx.msk [tilespmem:v16+s2+$0x0], $0xffff  }
0x14e: {  	v9 =	vadd.s32 $0x4E20, v4;
	v24 =	vld.idx.msk [tilespmem:v21+s2+$0x0], $0xffff  }
0x14f: {  	v14 =	vadd.s32 $0x2710, v7;
	v25 =	vld.idx.msk [tilespmem:v23+s2+$0x0], $0xffff  }
.Ltmp3:
0x150: {  	v29 =	vadd.s32 $0x4E20, v7;
	v2 =	vld.idx.msk [tilespmem:v2+s2+$0x0], $0xffff;
	(pc) =	sbr.rel @p1 .LBB2_11-.Ltmp3, $4  }
0x151: {  	v26 =	vadd.s32 $0x2710, v11;
	v3 =	vld.idx.msk [tilespmem:v3+s2+$0x0], $0xffff  }
0x152: {  	v30 =	vadd.s32 $0x4E20, v11;
	v8 =	vld.idx.msk [tilespmem:v8+s2+$0x0], $0xffff  }
0x153: {  	v27 =	vadd.s32 $0x2710, v13;
	v9 =	vld.idx.msk [tilespmem:v9+s2+$0x0], $0xffff  }
0x154: {  	s1 =	sadd.s32 $0x4000, s1;
	v28 =	vadd.s32 $0x4E20, v13;
	v14 =	vld.idx.msk [tilespmem:v14+s2+$0x0], $0xffff  }
0x155: {  	_ =	sdelay $0x3  }
0x156: {  	v0 =	vadd.s32 $0x2710, v16;
	v29 =	vld.idx.msk [tilespmem:v29+s2+$0x0], $0xffff  }
0x157: {  	v31 =	vadd.s32 $0x4E20, v16;
	v26 =	vld.idx.msk [tilespmem:v26+s2+$0x0], $0xffff  }
0x158: {  	v32 =	vadd.s32 $0x2710, v21;
	v30 =	vld.idx.msk [tilespmem:v30+s2+$0x0], $0xffff  }
0x159: {  	v33 =	vadd.s32 $0x4E20, v21;
	v27 =	vld.idx.msk [tilespmem:v27+s2+$0x0], $0xffff  }
0x15a: {  	v34 =	vadd.s32 $0x2710, v23;
	v28 =	vld.idx.msk [tilespmem:v28+s2+$0x0], $0xffff  }
0x15b: {  	v35 =	vadd.s32 $0x4E20, v23;
	v36 =	vld.idx.msk [tilespmem:v0+s2+$0x0], $0xffff  }
0x15c: {  	v21 =	vadd.s32 $0x7530, v21;
	v0 =	vadd.s32 $0x7530, v23;
	v23 =	vld.idx.msk [tilespmem:v31+s2+$0x0], $0xffff  }
0x15d: {  	v31 =	vld.idx.msk [tilespmem:v32+s2+$0x0], $0xffff  }
0x15e: {  	v16 =	vadd.s32 $0x7530, v16;
	v60 =	vld.idx.msk [tilespmem:v33+s2+$0x0], $0xffff  }
0x15f: {  	v13 =	vadd.s32 $0x7530, v13;
	v61 =	vld.idx.msk [tilespmem:v34+s2+$0x0], $0xffff  }
0x160: {  	v11 =	vadd.s32 $0x7530, v11;
	v62 =	vld.idx.msk [tilespmem:v35+s2+$0x0], $0xffff  }
0x161: {  	v4 =	vadd.s32 $0x7530, v4;
	v21 =	vld.idx.msk [tilespmem:v21+s2+$0x0], $0xffff  }
0x162: {  	v63 =	vld.idx.msk [tilespmem:v0+s2+$0x0], $0xffff;
	v0 =	vadd.s32 $0x7530, v7  }
0x163: {  	v16 =	vld.idx.msk [tilespmem:v16+s2+$0x0], $0xffff;
	v7 =	vadd.s32 $0x7530, v1  }
0x164: {  	v37 =	vld.idx.msk [tilespmem:v13+s2+$0x0], $0xffff;
	v1 =	vmov s29  }
0x165: {  	v38 =	vld.idx.msk [tilespmem:v11+s2+$0x0], $0xffff  }
0x166: {  	v40 =	vld.idx.msk [tilespmem:v4+s2+$0x0], $0xffff  }
0x167: {  	v39 =	vld.idx.msk [tilespmem:v0+s2+$0x0], $0xffff  }
0x168: {  	s1 =	simm.s32 $0x0;
	v41 =	vld.idx.msk [tilespmem:v7+s2+$0x0], $0xffff  }
0x169: {  	v4 =	vmax.f32 v6, v25;
	v0 =	vld.idx.msk [tilespmem:v1+s1+$0x180 ss:$0x1], $0xffff  }
0x16a: {  	v6 =	vmax.f32 v4, v24;
	v4 =	vld.idx.msk [tilespmem:v1+s1+$0x100 ss:$0x1], $0xffff  }
0x16b: {  	v7 =	vmax.f32 v6, v22;
	v6 =	vld.idx.msk [tilespmem:v1+s1+$0x80 ss:$0x1], $0xffff  }
0x16c: {  	v22 =	vld.idx.msk [tilespmem:v1+s1+$0xFFFFFE00 ss:$0x1], $0xffff  }
0x16d: {  	v11 =	vmax.f32 v7, v20;
	v7 =	vld.idx.msk [tilespmem:v1+s1+$0x0 ss:$0x1], $0xffff  }
0x16e: {  	v20 =	vld.idx.msk [tilespmem:v1+s1+$0xFFFFFE80 ss:$0x1], $0xffff;
	v13 =	vmax.f32 v11, v15  }
0x16f: {  	v11 =	vld.idx.msk [tilespmem:v1+s1+$0xFFFFFF80 ss:$0x1], $0xffff;
	v12 =	vmax.f32 v13, v12  }
0x170: {  	v13 =	vld.idx.msk [tilespmem:v1+s1+$0xFFFFFF00 ss:$0x1], $0xffff;
	v10 =	vmax.f32 v12, v10  }
0x171: {  	v12 =	vmax.f32 v18, v62;
	v42 =	vmax.f32 v10, v5;
	v10 =	vmax.f32 v17, v61;
	v5 =	vld.idx.msk [tilespmem:v0+s2+$0x0], $0xffff  }
0x172: {  	v15 =	vmax.f32 v19, v63;
	v12 =	vmax.f32 v12, v60;
	v17 =	vmax.f32 v10, v31;
	v10 =	vld.idx.msk [tilespmem:v4+s2+$0x0], $0xffff  }
0x173: {  	v15 =	vmax.f32 v15, v21;
	v18 =	vmax.f32 v12, v23;
	v17 =	vmax.f32 v17, v36;
	v12 =	vld.idx.msk [tilespmem:v6+s2+$0x0], $0xffff  }
0x174: {  	v16 =	vmax.f32 v15, v16;
	v21 =	vadd.s32 $0x2710, v0;
	v17 =	vmax.f32 v17, v27;
	v25 =	vld.idx.msk [tilespmem:v22+s2+$0x0], $0xffff  }
0x175: {  	v18 =	vmax.f32 v18, v28;
	v15 =	vld.idx.msk [tilespmem:v7+s2+$0x0], $0xffff;
	v17 =	vmax.f32 v17, v26;
	v26 =	vadd.s32 $0x4E20, v0  }
0x176: {  	s0 =	sadd.s32 s14, s0;
	v16 =	vmax.f32 v16, v37;
	v18 =	vmax.f32 v18, v30;
	v27 =	vadd.s32 $0x2710, v4;
	v24 =	vld.idx.msk [tilespmem:v20+s2+$0x0], $0xffff  }
0x177: {  	s31 =	sshll.u32 s0, $0x2;
	v19 =	vld.idx.msk [tilespmem:v11+s2+$0x0], $0xffff;
	v14 =	vmax.f32 v17, v14;
	v17 =	vmax.f32 v18, v29;
	v18 =	vadd.s32 $0x4E20, v4  }
0x178: {  	s0 =	sand.u32 $0x70, s0;
	s1 =	sand.u32 $0x1FE00, s31;
	v16 =	vmax.f32 v16, v38;
	v23 =	vld.idx.msk [tilespmem:v13+s2+$0x0], $0xffff;
	v8 =	vmax.f32 v14, v8;
	v14 =	vadd.s32 $0x2710, v6  }
0x179: {  	s0 =	sor.u32 s0, s1;
	v29 =	vadd.s32 $0x4E20, v6;
	v9 =	vmax.f32 v17, v9;
	v8 =	vmax.f32 v8, v2;
	v2 =	vld.idx.msk [tilespmem:v21+s2+$0x0], $0xffff  }
0x17a: {  	s1 =	sadd.s32 $0x11C80, s0;
	[tilespmem:s0+$0x11C80] =	vst v42;
	v16 =	vmax.f32 v16, v39;
	v9 =	vmax.f32 v9, v3;
	v3 =	vld.idx.msk [tilespmem:v26+s2+$0x0], $0xffff;
	v26 =	vadd.s32 $0x2710, v7  }
0x17b: {  	v28 =	vadd.s32 $0x4E20, v11;
	v16 =	vmax.f32 v16, v40;
	v30 =	vadd.s32 $0x4E20, v7;
	[tilespmem:s1+$0x80] =	vst v8;
	v8 =	vld.idx.msk [tilespmem:v27+s2+$0x0], $0xffff  }
0x17c: {  	v17 =	vmax.f32 v16, v41;
	v16 =	vimm.f32 $-Inf;
	[tilespmem:s1+$0x100] =	vst v9;
	v27 =	vadd.s32 $0x2710, v11;
	v9 =	vld.idx.msk [tilespmem:v18+s2+$0x0], $0xffff  }
0x17d: {  	s0 =	sadd.s32 $0x40, s28;
	[tilespmem:s1+$0x180] =	vst v17;
	v21 =	vimm.f32 $-Inf;
	v17 =	vimm.f32 $-Inf;
	s1 =	simm.s32 $0x4000;
	v18 =	vimm.f32 $-Inf;
	v14 =	vld.idx.msk [tilespmem:v14+s2+$0x0], $0xffff  }
.LBB2_13:
0x17e: {  	p1 =	sne.s32 s1, $0xC000;
	v31 =	vadd.s32 $0x2710, v13;
	v29 =	vld.idx.msk [tilespmem:v29+s2+$0x0], $0xffff  }
0x17f: {  	v32 =	vadd.s32 $0x4E20, v13;
	v26 =	vld.idx.msk [tilespmem:v26+s2+$0x0], $0xffff  }
0x180: {  	v33 =	vadd.s32 $0x2710, v20;
	v30 =	vld.idx.msk [tilespmem:v30+s2+$0x0], $0xffff  }
0x181: {  	v34 =	vadd.s32 $0x4E20, v20;
	v27 =	vld.idx.msk [tilespmem:v27+s2+$0x0], $0xffff  }
0x182: {  	v35 =	vadd.s32 $0x2710, v22;
	v28 =	vld.idx.msk [tilespmem:v28+s2+$0x0], $0xffff  }
0x183: {  	v36 =	vadd.s32 $0x4E20, v22;
	v31 =	vld.idx.msk [tilespmem:v31+s2+$0x0], $0xffff  }
0x184: {  	v22 =	vadd.s32 $0x7530, v22;
	v32 =	vld.idx.msk [tilespmem:v32+s2+$0x0], $0xffff  }
0x185: {  	v20 =	vadd.s32 $0x7530, v20;
	v33 =	vld.idx.msk [tilespmem:v33+s2+$0x0], $0xffff  }
0x186: {  	v13 =	vadd.s32 $0x7530, v13;
	v34 =	vld.idx.msk [tilespmem:v34+s2+$0x0], $0xffff  }
0x187: {  	v16 =	vmax.f32 v16, v25;
	v11 =	vadd.s32 $0x7530, v11;
	v25 =	vld.idx.msk [tilespmem:v35+s2+$0x0], $0xffff  }
0x188: {  	v7 =	vadd.s32 $0x7530, v7;
	v16 =	vmax.f32 v16, v24;
	v35 =	vld.idx.msk [tilespmem:v36+s2+$0x0], $0xffff  }
0x189: {  	v6 =	vadd.s32 $0x7530, v6;
	v16 =	vmax.f32 v16, v23;
	v22 =	vld.idx.msk [tilespmem:v22+s2+$0x0], $0xffff  }
0x18a: {  	v4 =	vadd.s32 $0x7530, v4;
	v16 =	vmax.f32 v16, v19;
	v20 =	vld.idx.msk [tilespmem:v20+s2+$0x0], $0xffff  }
0x18b: {  	v0 =	vadd.s32 $0x7530, v0;
	v15 =	vmax.f32 v16, v15;
	v13 =	vld.idx.msk [tilespmem:v13+s2+$0x0], $0xffff  }
0x18c: {  	v12 =	vmax.f32 v15, v12;
	v11 =	vld.idx.msk [tilespmem:v11+s2+$0x0], $0xffff  }
0x18d: {  	v10 =	vmax.f32 v12, v10;
	v7 =	vld.idx.msk [tilespmem:v7+s2+$0x0], $0xffff  }
0x18e: {  	v16 =	vmax.f32 v10, v5;
	v12 =	vld.idx.msk [tilespmem:v6+s2+$0x0], $0xffff  }
0x18f: {  	v5 =	vmax.f32 v21, v25;
	v6 =	vmax.f32 v18, v35;
	v10 =	vmax.f32 v17, v22;
	v15 =	vld.idx.msk [tilespmem:v4+s2+$0x0], $0xffff  }
0x190: {  	s7 =	sshra.s32 s1, $0x2;
	v4 =	vmax.f32 v5, v33;
	v5 =	vmax.f32 v6, v34;
	v6 =	vmax.f32 v10, v20;
	v10 =	vld.idx.msk [tilespmem:v0+s2+$0x0], $0xffff  }
0x191: {  	v17 =	vmax.f32 v4, v31;
	v5 =	vmax.f32 v5, v32;
	v6 =	vmax.f32 v6, v13;
	v0 =	vld.idx.msk [tilespmem:v1+s7+$0x180 ss:$0x1], $0xffff  }
0x192: {  	v13 =	vmax.f32 v17, v27;
	v5 =	vmax.f32 v5, v28;
	v11 =	vmax.f32 v6, v11;
	v4 =	vld.idx.msk [tilespmem:v1+s7+$0x100 ss:$0x1], $0xffff  }
0x193: {  	v13 =	vmax.f32 v13, v26;
	v5 =	vmax.f32 v5, v30;
	v11 =	vmax.f32 v11, v7;
	v6 =	vld.idx.msk [tilespmem:v1+s7+$0x80 ss:$0x1], $0xffff  }
0x194: {  	v13 =	vmax.f32 v13, v14;
	v5 =	vmax.f32 v5, v29;
	v12 =	vmax.f32 v11, v12;
	v7 =	vld.idx.msk [tilespmem:v1+s7+$0x0 ss:$0x1], $0xffff  }
0x195: {  	v8 =	vmax.f32 v13, v8;
	v5 =	vmax.f32 v5, v9;
	v9 =	vmax.f32 v12, v15;
	v11 =	vld.idx.msk [tilespmem:v1+s7+$0xFFFFFF80 ss:$0x1], $0xffff  }
0x196: {  	v21 =	vmax.f32 v8, v2;
	v18 =	vmax.f32 v5, v3;
	v17 =	vmax.f32 v9, v10;
	v13 =	vld.idx.msk [tilespmem:v1+s7+$0xFFFFFF00 ss:$0x1], $0xffff  }
0x197: {  	v20 =	vld.idx.msk [tilespmem:v1+s7+$0xFFFFFE80 ss:$0x1], $0xffff  }
0x198: {  	v22 =	vld.idx.msk [tilespmem:v1+s7+$0xFFFFFE00 ss:$0x1], $0xffff  }
0x199: {  	v5 =	vld.idx.msk [tilespmem:v0+s2+$0x0], $0xffff  }
0x19a: {  	v10 =	vld.idx.msk [tilespmem:v4+s2+$0x0], $0xffff  }
0x19b: {  	v12 =	vld.idx.msk [tilespmem:v6+s2+$0x0], $0xffff  }
0x19c: {  	v2 =	vadd.s32 $0x2710, v0;
	v15 =	vld.idx.msk [tilespmem:v7+s2+$0x0], $0xffff  }
0x19d: {  	v3 =	vadd.s32 $0x4E20, v0;
	v19 =	vld.idx.msk [tilespmem:v11+s2+$0x0], $0xffff  }
0x19e: {  	v8 =	vadd.s32 $0x2710, v4;
	v23 =	vld.idx.msk [tilespmem:v13+s2+$0x0], $0xffff  }
0x19f: {  	v9 =	vadd.s32 $0x4E20, v4;
	v24 =	vld.idx.msk [tilespmem:v20+s2+$0x0], $0xffff  }
0x1a0: {  	v14 =	vadd.s32 $0x2710, v6;
	v25 =	vld.idx.msk [tilespmem:v22+s2+$0x0], $0xffff  }
.Ltmp4:
0x1a1: {  	v29 =	vadd.s32 $0x4E20, v6;
	v2 =	vld.idx.msk [tilespmem:v2+s2+$0x0], $0xffff;
	(pc) =	sbr.rel @p1 .LBB2_13-.Ltmp4, $4  }
0x1a2: {  	v26 =	vadd.s32 $0x2710, v7;
	v3 =	vld.idx.msk [tilespmem:v3+s2+$0x0], $0xffff  }
0x1a3: {  	v30 =	vadd.s32 $0x4E20, v7;
	v8 =	vld.idx.msk [tilespmem:v8+s2+$0x0], $0xffff  }
0x1a4: {  	v27 =	vadd.s32 $0x2710, v11;
	v9 =	vld.idx.msk [tilespmem:v9+s2+$0x0], $0xffff  }
0x1a5: {  	s1 =	sadd.s32 $0x4000, s1;
	v28 =	vadd.s32 $0x4E20, v11;
	v14 =	vld.idx.msk [tilespmem:v14+s2+$0x0], $0xffff  }
0x1a6: {  	_ =	sdelay $0x3  }
0x1a7: {  	v1 =	vadd.s32 $0x2710, v13;
	v29 =	vld.idx.msk [tilespmem:v29+s2+$0x0], $0xffff  }
0x1a8: {  	v31 =	vadd.s32 $0x4E20, v13;
	v26 =	vld.idx.msk [tilespmem:v26+s2+$0x0], $0xffff  }
0x1a9: {  	v32 =	vadd.s32 $0x2710, v20;
	v30 =	vld.idx.msk [tilespmem:v30+s2+$0x0], $0xffff  }
0x1aa: {  	v33 =	vadd.s32 $0x4E20, v20;
	v27 =	vld.idx.msk [tilespmem:v27+s2+$0x0], $0xffff  }
0x1ab: {  	v34 =	vadd.s32 $0x2710, v22;
	v28 =	vld.idx.msk [tilespmem:v28+s2+$0x0], $0xffff  }
0x1ac: {  	v35 =	vadd.s32 $0x4E20, v22;
	v1 =	vld.idx.msk [tilespmem:v1+s2+$0x0], $0xffff  }
0x1ad: {  	v52 =	vadd.s32 $0x7530, v22;
	v31 =	vld.idx.msk [tilespmem:v31+s2+$0x0], $0xffff  }
0x1ae: {  	v53 =	vadd.s32 $0x7530, v20;
	v32 =	vld.idx.msk [tilespmem:v32+s2+$0x0], $0xffff  }
0x1af: {  	v54 =	vadd.s32 $0x7530, v13;
	v16 =	vmax.f32 v16, v25;
	v33 =	vld.idx.msk [tilespmem:v33+s2+$0x0], $0xffff  }
0x1b0: {  	v11 =	vadd.s32 $0x7530, v11;
	v16 =	vmax.f32 v16, v24;
	v55 =	vld.idx.msk [tilespmem:v34+s2+$0x0], $0xffff  }
0x1b1: {  	v7 =	vadd.s32 $0x7530, v7;
	v16 =	vmax.f32 v16, v23;
	v56 =	vld.idx.msk [tilespmem:v35+s2+$0x0], $0xffff  }
0x1b2: {  	v6 =	vadd.s32 $0x7530, v6;
	v16 =	vmax.f32 v16, v19;
	v22 =	vld.idx.msk [tilespmem:v52+s2+$0x0], $0xffff  }
0x1b3: {  	v4 =	vadd.s32 $0x7530, v4;
	v15 =	vmax.f32 v16, v15;
	v57 =	vld.idx.msk [tilespmem:v53+s2+$0x0], $0xffff  }
0x1b4: {  	v0 =	vadd.s32 $0x7530, v0;
	v13 =	vld.idx.msk [tilespmem:v54+s2+$0x0], $0xffff;
	v12 =	vmax.f32 v15, v12  }
0x1b5: {  	v11 =	vld.idx.msk [tilespmem:v11+s2+$0x0], $0xffff;
	v10 =	vmax.f32 v12, v10;
	v58 =	vmax.f32 v21, v55  }
0x1b6: {  	v7 =	vld.idx.msk [tilespmem:v7+s2+$0x0], $0xffff;
	v5 =	vmax.f32 v10, v5;
	v59 =	vmax.f32 v18, v56;
	v12 =	vmax.f32 v58, v32  }
0x1b7: {  	v6 =	vld.idx.msk [tilespmem:v6+s2+$0x0], $0xffff;
	v60 =	vmax.f32 v17, v22;
	v10 =	vmax.f32 v59, v33;
	v1 =	vmax.f32 v12, v1  }
0x1b8: {  	s0 =	sadd.s32 s14, s0;
	v4 =	vld.idx.msk [tilespmem:v4+s2+$0x0], $0xffff;
	v61 =	vmax.f32 v60, v57;
	v10 =	vmax.f32 v10, v31;
	v1 =	vmax.f32 v1, v27  }
0x1b9: {  	s1 =	sshll.u32 s0, $0x2;
	v0 =	vld.idx.msk [tilespmem:v0+s2+$0x0], $0xffff;
	v12 =	vmax.f32 v61, v13;
	v10 =	vmax.f32 v10, v28;
	v1 =	vmax.f32 v1, v26  }
0x1ba: {  	p1 =	slt.u32 s21, $0x14;
	s0 =	sand.u32 $0x70, s0;
	s1 =	sand.u32 $0x1FE00, s1;
	v11 =	vmax.f32 v12, v11;
	v10 =	vmax.f32 v10, v30;
	v1 =	vmax.f32 v1, v14  }
.Ltmp5:
0x1bb: {  	s31 =	sadd.s32 $0x5, s21;
	s0 =	sor.u32 s0, s1;
	v7 =	vmax.f32 v11, v7;
	v10 =	vmax.f32 v10, v29;
	v1 =	vmax.f32 v1, v8;
	(pc) =	sbr.rel @p1 .LBB2_4-.Ltmp5, $4  }
0x1bc: {  	s26 =	sadd.s32 $0x280, s26;
	s25 =	sadd.s32 $0x5, s25;
	s1 =	sadd.s32 $0x11C80, s0;
	[tilespmem:s0+$0x11C80] =	vst v5;
	v6 =	vmax.f32 v7, v6;
	v62 =	vmax.f32 v10, v9;
	v1 =	vmax.f32 v1, v2  }
0x1bd: {  	s16 =	sadd.s32 $0x280, s16;
	s17 =	sadd.s32 $0x5, s17;
	s18 =	sadd.s32 $0x280, s18;
	v63 =	vmax.f32 v6, v4;
	v3 =	vmax.f32 v62, v3;
	[tilespmem:s1+$0x80] =	vst v1  }
0x1be: {  	s19 =	sadd.s32 $0x5, s19;
	s20 =	sadd.s32 $0x280, s20;
	s22 =	sadd.s32 $0x5, s22;
	v0 =	vmax.f32 v63, v0;
	[tilespmem:s1+$0x100] =	vst v3  }
0x1bf: {  	s23 =	sadd.s32 $0x280, s23;
	s24 =	sadd.s32 $0x5, s24;
	s21 =	smov.u32 s31;
	[tilespmem:s1+$0x180] =	vst v0  }
0x1c0: {  	p1 =	seq.s32 s13, $0x19  }
.Ltmp6:
0x1c1: {  	_ = 	snop;
	(pc) =	sbr.rel @!p1 .LBB2_3-.Ltmp6, $2  }
0x1c2: {  	_ =	sdelay $0x2  }
0x1c3: {  	p0 =	por !p0, !p0  }
0x1c4: {  	s12 =	sadd.s32 $0x1, s12  }
0x1c5: {  	p0 =	sne.s32 s12, s6  }
.Ltmp7:
0x1c6: {  	_ = 	snop;
	(pc) =	sbr.rel @p0 .LBB2_1-.Ltmp7, $4  }
0x1c7: {  	[hbm4b:s5+s9] =	stream.strided.scatter [tilespmem:s11], [sflag:$0x3], $0x9E00, s10, s9, $0x38;
	[tilespmem:$0x1BA80] =	vst v63  }
0x1c8: {  	_ =	swait.ge [sflag:s8], $0x9E00  }
0x1c9: {  	[sflag:s8] =	ssyncset.done $0x0  }
0x1ca: {  	[sflag:s8] =	ssyncadd.s32 $0xFFFF6200  }
0x1cb: {  	_ =	sfence.sel $0x180000  }
0x1cc: {  	[bflag:$0x0] =	sbarrier.arrive $0xFFFF  }
0x1cd: {  	_ =	strace $0x90000047  }
0x1ce: {  	s0 =	stileid.u32;
	[bflag:$0x2] =	sbarrier.arrive $0xFFFF  }
0x1cf: {  	p0 =	sne.s32 s0, $0x0;
	s0 =	rddreg [dreg:$0x2]  }
0x1d0: {  	s0 =	sadd.s32 @!p0 $0x100000, s0  }
0x1d1: {  	[sflag:s0] =	ssyncadd.tile.s32 @!p0 $0x1;
	_ =	shalt  }
.Lfunc_end2:
_tile_overlayer_lowered:
.L_overlay_start_2:
0x1d2: {  	(tag) =	ssettag $0x2  }
0x1d3: {  	s0 =	rddreg [dreg:$0x0];
	s2 =	stileid.u32  }
0x1d4: {  	s1 =	rddreg [dreg:$0x1];
	p0 =	sne.s32 s2, $0x0  }
0x1d5: {  	s3 =	rddreg [dreg:$0x2];
	[bflag:$0x3] =	sbarrier.arrive $0xFFFF;
	s2 =	simm.s32 @!p0 $0x1C03  }
0x1d6: {  	[timem:s3], [sflag:s2] =	dma.local @!p0 [hbm:s0], s1  }
0x1d7: {  	s0 =	simm.s32 @!p0 $0x3  }
0x1d8: {  	_ =	swait.ge @!p0 [sflag:s0], s1  }
0x1d9: {  	s1 =	ssub.s32 @!p0 $0x0, s1;
	[sflag:s0] =	ssyncset.done @!p0 $0x0  }
0x1da: {  	[sflag:s0] =	ssyncadd.s32 @!p0 s1  }
0x1db: {  	[bflag:$0x3] =	sbarrier.arrive $0xFFFF  }
0x1dc: {  	_ =	shalt  }

</sc_bundles>
